<compile_context>
chip_gen: v7x
topology: tpu7x:2x2x1
jax: 0.10.2.dev20260603
libtpu: 0.0.44.dev20260713+nightly
codegen_flags: <defaults>
</compile_context>

<pallas_src>
import functools

import jax
import jax.numpy as jnp
from jax import lax
from jax.experimental import pallas as pl
from jax.experimental.pallas import tpu as pltpu
from jax.experimental.pallas import tpu_sc as plsc

_E = 16
_G = 4
_GSZ = 4
_BLK = 512
_L = 16
_NC = 2
_NS = 16


def _logits_body(x_ref, w_ref, bl_ref, out_ref):
    x = x_ref[...]
    w = w_ref[...]
    logits = lax.dot_general(w, x, (((1,), (1,)), ((), ())),
                             preferred_element_type=jnp.float32)
    out_ref[...] = logits + bl_ref[:, 0:1]


def _route_chunk(l_vmem, bias_vmem, val_vmem, idx_vmem, k):
    s = pl.ds(k * _L, _L)
    logit = [l_vmem[e, s] for e in range(_E)]
    ex = [jnp.exp(logit[e]) for e in range(_E)]
    tot = ex[0]
    for e in range(1, _E):
        tot = tot + ex[e]
    recip = jnp.float32(1.0) / tot
    scores = [ex[e] * recip + bias_vmem[e, :] for e in range(_E)]

    gmax = []
    for gi in range(_G):
        gm = scores[gi * _GSZ]
        for j in range(1, _GSZ):
            gm = jnp.maximum(gm, scores[gi * _GSZ + j])
        gmax.append(gm)
    one = jnp.float32(1.0)
    zero = jnp.float32(0.0)
    neg = jnp.float32(-1e30)
    drop = []
    for gi in range(_G):
        beats = [(gmax[h] >= gmax[gi]) if h < gi else (gmax[h] > gmax[gi])
                 for h in range(_G) if h != gi]
        rank = sum(jnp.where(t, one, zero) for t in beats)
        drop.append(jnp.where(rank >= 2.0, neg, zero))

    ms = [scores[e] + drop[e // _GSZ] for e in range(_E)]

    v1 = ms[0]
    i1 = jnp.zeros((_L,), jnp.int32)
    v2 = jnp.full((_L,), -3e38, jnp.float32)
    i2 = jnp.zeros((_L,), jnp.int32)
    for e in range(1, _E):
        e_vec = jnp.full((_L,), e, jnp.int32)
        gt1 = ms[e] > v1
        gtv2 = ms[e] > v2
        v2 = jnp.where(gt1, v1, jnp.where(gtv2, ms[e], v2))
        i2 = jnp.where(gt1, i1, jnp.where(gtv2, e_vec, i2))
        v1 = jnp.where(gt1, ms[e], v1)
        i1 = jnp.where(gt1, e_vec, i1)

    val_vmem[0, s] = v1
    val_vmem[1, s] = v2
    idx_vmem[0, s] = i1
    idx_vmem[1, s] = i2


def _router_sc(logits_hbm, bias_hbm, val_hbm, idx_hbm,
               l_vmem, bias_vmem, val_vmem, idx_vmem, *, tok_per_w):
    wid = lax.axis_index("s") * _NC + lax.axis_index("c")
    base = wid * tok_per_w
    pltpu.sync_copy(bias_hbm, bias_vmem)
    pltpu.sync_copy(logits_hbm.at[:, pl.ds(base, tok_per_w)], l_vmem)

    @plsc.parallel_loop(0, tok_per_w // _L, unroll=2)
    def body(k):
        _route_chunk(l_vmem, bias_vmem, val_vmem, idx_vmem, k)
    pltpu.sync_copy(val_vmem, val_hbm.at[:, pl.ds(base, tok_per_w)])
    pltpu.sync_copy(idx_vmem, idx_hbm.at[:, pl.ds(base, tok_per_w)])


@jax.jit
def kernel(x, W, b_lin, bias):
    n_tok, dim = x.shape
    tok_per_w = n_tok // (_NC * _NS)
    bl_bc = jnp.broadcast_to(b_lin[:, None], (_E, 128))
    bias_bc = jnp.broadcast_to(bias[:, None], (_E, _L))

    logits_t = pl.pallas_call(
        _logits_body,
        grid=(n_tok // _BLK,),
        in_specs=[
            pl.BlockSpec((_BLK, dim), lambda i: (i, 0)),
            pl.BlockSpec((_E, dim), lambda i: (0, 0)),
            pl.BlockSpec((_E, 128), lambda i: (0, 0)),
        ],
        out_specs=pl.BlockSpec((_E, _BLK), lambda i: (0, i)),
        out_shape=jax.ShapeDtypeStruct((_E, n_tok), jnp.float32),
    )(x, W, bl_bc)

    sc_route = pl.kernel(
        functools.partial(_router_sc, tok_per_w=tok_per_w),
        out_type=[
            jax.ShapeDtypeStruct((2, n_tok), jnp.float32),
            jax.ShapeDtypeStruct((2, n_tok), jnp.int32),
        ],
        mesh=plsc.VectorSubcoreMesh(core_axis_name="c", subcore_axis_name="s"),
        scratch_types=[
            pltpu.VMEM((_E, tok_per_w), jnp.float32),
            pltpu.VMEM((_E, _L), jnp.float32),
            pltpu.VMEM((2, tok_per_w), jnp.float32),
            pltpu.VMEM((2, tok_per_w), jnp.int32),
        ],
    )
    vals_t, idx_t = sc_route(logits_t, bias_bc)
    return vals_t.T, idx_t.T

# --- scband reference (transcript-rebuilt; emitter-appended) ---
"""Pipeline reference for scband-router-64381559767962 (READ-ONLY COPY).

The authoritative reference and input builder live on the scoring server;
editing this copy changes nothing except your own understanding.
"""

import jax, jax.numpy as jnp
import numpy as np

DIM = 4096
N_EXPERTS = 16
N_GROUPS = 4
N_LIMITED_GROUPS = 2
TOP_K = 2
ROUTE_SCALE = 1.0
T = 8192  # 4 * 2048 tokens


def setup_inputs(seed: int = 0) -> dict:
    key = jax.random.key(seed)
    k1, k2, k3, k4 = jax.random.split(key, 4)
    x = jax.random.normal(k1, (T, DIM), dtype=jnp.float32)
    # nn.Linear(dim, n_routed_experts): weight [E, dim], bias [E]
    W = jax.random.normal(k2, (N_EXPERTS, DIM), dtype=jnp.float32) * 0.02
    b_lin = jax.random.normal(k3, (N_EXPERTS,), dtype=jnp.float32) * 0.02
    # extra routing bias parameter (moe_use_bias=True)
    bias = jax.random.normal(k4, (N_EXPERTS,), dtype=jnp.float32) * 0.02
    return {"x": x, "W": W, "b_lin": b_lin, "bias": bias}


def reference(x, W, b_lin, bias):
    # scores = self.w1(x)
    logits = x @ W.T + b_lin
    # softmax score function in float32
    scores = jax.nn.softmax(logits.astype(jnp.float32), axis=-1)
    # scores += self.bias
    scores = scores + bias
    original_scores = scores
    n_tok = x.shape[0]
    # _mask_groups: n_groups > 1, bias is not None -> group_scores = amax
    s3 = scores.reshape(n_tok, N_GROUPS, -1)
    group_scores = s3.max(axis=-1)
    _, gidx = jax.lax.top_k(group_scores, N_LIMITED_GROUPS)
    mask = jnp.ones((n_tok, N_GROUPS), dtype=bool).at[jnp.arange(n_tok)[:, None], gidx].set(False)
    masked = jnp.where(mask[:, :, None], -jnp.inf, s3).reshape(n_tok, -1)
    # top-k experts over masked scores
    _, indices = jax.lax.top_k(masked, TOP_K)
    # gather from (softmax + bias) scores at chosen indices (identical values to
    # torch's mutated original_scores at these finite positions)
    values = jnp.take_along_axis(original_scores, indices, axis=1) * ROUTE_SCALE
    return (values.astype(x.dtype), indices)

if __name__ == "__main__":
    import jax
    _d = setup_inputs()
    print(jax.jit(kernel)(*tuple(_d.values())))

</pallas_src>

<mosaic_0001>
#map = affine_map<(d0, d1) -> (0, 0)>
module attributes {stable_mosaic.version = 14 : i64} {
  func.func @_router_sc(%arg0: i32, %arg1: i32, %arg2: memref<16x8192xf32, #tpu.memory_space<hbm>>, %arg3: memref<16x16xf32, #tpu.memory_space<hbm>>, %arg4: memref<2x8192xf32, #tpu.memory_space<hbm>>, %arg5: memref<2x8192xi32, #tpu.memory_space<hbm>>, %arg6: memref<16x256xf32, #tpu.memory_space<vmem>>, %arg7: memref<16x16xf32, #tpu.memory_space<vmem>>, %arg8: memref<2x256xf32, #tpu.memory_space<vmem>>, %arg9: memref<2x256xi32, #tpu.memory_space<vmem>>) attributes {dimension_semantics = [#tpu.dimension_semantics<core_parallel>, #tpu.dimension_semantics<subcore_parallel>], iteration_bounds = array<i64: 2, 16>, scalar_prefetch = 0 : i64, scratch_operands = 4 : i64, tpu.core_type = #tpu.core_type<sc_vector_subcore>, window_params = [{transform_indices = #map}, {transform_indices = #map}, {transform_indices = #map}, {transform_indices = #map}]} {
    %mul3A = arith.constant 2 : i32
    %mul3A_0 = arith.muli %arg1, %mul3A : i32
    %add3A = arith.addi %mul3A_0, %arg0 : i32
    %mul3A_1 = arith.constant 256 : i32
    %mul3A_2 = arith.muli %add3A, %mul3A_1 : i32
    "tpu.region"() ({
      %run_scoped3A = tpu.sem_alloc : memref<!tpu.dma_semaphore, #tpu.memory_space<semaphore_mem>>
      tpu.enqueue_dma source(%arg3 : memref<16x16xf32, #tpu.memory_space<hbm>>) target(%arg7 : memref<16x16xf32, #tpu.memory_space<vmem>>) target_semaphore(%run_scoped3A : memref<!tpu.dma_semaphore, #tpu.memory_space<semaphore_mem>>)
      tpu.wait_dma2 semaphore(%run_scoped3A : memref<!tpu.dma_semaphore, #tpu.memory_space<semaphore_mem>>) src(%arg3 : memref<16x16xf32, #tpu.memory_space<hbm>>) dst(%arg7 : memref<16x16xf32, #tpu.memory_space<vmem>>)
      tpu.yield
    }) : () -> ()
    "tpu.region"() ({
      %run_scoped3A = tpu.sem_alloc : memref<!tpu.dma_semaphore, #tpu.memory_space<semaphore_mem>>
      %dma_start3A = arith.constant 0 : i32
      %dma_start3A_5 = tpu.memref_slice %arg2[%dma_start3A, %mul3A_2] : memref<16x8192xf32, #tpu.memory_space<hbm>> -> memref<16x256xf32, #tpu.memory_space<hbm>>
      %dma_start3A_6 = arith.constant 0 : i32
      %dma_start3A_7 = tpu.memref_slice %arg2[%dma_start3A_6, %mul3A_2] : memref<16x8192xf32, #tpu.memory_space<hbm>> -> memref<16x256xf32, #tpu.memory_space<hbm>>
      tpu.enqueue_dma source(%dma_start3A_7 : memref<16x256xf32, #tpu.memory_space<hbm>>) target(%arg6 : memref<16x256xf32, #tpu.memory_space<vmem>>) target_semaphore(%run_scoped3A : memref<!tpu.dma_semaphore, #tpu.memory_space<semaphore_mem>>)
      %dma_wait3A = arith.constant 0 : i32
      %dma_wait3A_8 = tpu.memref_slice %arg2[%dma_wait3A, %mul3A_2] : memref<16x8192xf32, #tpu.memory_space<hbm>> -> memref<16x256xf32, #tpu.memory_space<hbm>>
      %dma_wait3A_9 = arith.constant 0 : i32
      %dma_wait3A_10 = tpu.memref_slice %arg2[%dma_wait3A_9, %mul3A_2] : memref<16x8192xf32, #tpu.memory_space<hbm>> -> memref<16x256xf32, #tpu.memory_space<hbm>>
      tpu.wait_dma2 semaphore(%run_scoped3A : memref<!tpu.dma_semaphore, #tpu.memory_space<semaphore_mem>>) src(%dma_wait3A_10 : memref<16x256xf32, #tpu.memory_space<hbm>>) dst(%arg6 : memref<16x256xf32, #tpu.memory_space<vmem>>)
      tpu.yield
    }) : () -> ()
    %parallel_loop3A = arith.constant 0 : i32
    %parallel_loop3A_3 = arith.constant 16 : i32
    %parallel_loop3A_4 = arith.constant 1 : i32
    scf.for %parallel_loop3A_5 = %parallel_loop3A to %parallel_loop3A_3 step %parallel_loop3A_4  : i32 {
      %parallel_loop3A_6 = arith.constant 16 : i32
      %parallel_loop3A_7 = arith.muli %parallel_loop3A_5, %parallel_loop3A_6 : i32
      %parallel_loop3A_8 = arith.constant 0 : i32
      %parallel_loop3A_9 = arith.index_cast %parallel_loop3A_8 : i32 to index
      %parallel_loop3A_10 = arith.index_cast %parallel_loop3A_7 : i32 to index
      %parallel_loop3A_11 = tpu.vector_load %arg6[%parallel_loop3A_9, %parallel_loop3A_10] {strides = array<i32>} : memref<16x256xf32, #tpu.memory_space<vmem>>, vector<1x16xf32>,
      %parallel_loop3A_12 = vector.shape_cast %parallel_loop3A_11 : vector<1x16xf32> to vector<16xf32>
      %parallel_loop3A_13 = arith.constant 1 : i32
      %parallel_loop3A_14 = arith.index_cast %parallel_loop3A_13 : i32 to index
      %parallel_loop3A_15 = arith.index_cast %parallel_loop3A_7 : i32 to index
      %parallel_loop3A_16 = tpu.vector_load %arg6[%parallel_loop3A_14, %parallel_loop3A_15] {strides = array<i32>} : memref<16x256xf32, #tpu.memory_space<vmem>>, vector<1x16xf32>,
      %parallel_loop3A_17 = vector.shape_cast %parallel_loop3A_16 : vector<1x16xf32> to vector<16xf32>
      %parallel_loop3A_18 = arith.constant 2 : i32
      %parallel_loop3A_19 = arith.index_cast %parallel_loop3A_18 : i32 to index
      %parallel_loop3A_20 = arith.index_cast %parallel_loop3A_7 : i32 to index
      %parallel_loop3A_21 = tpu.vector_load %arg6[%parallel_loop3A_19, %parallel_loop3A_20] {strides = array<i32>} : memref<16x256xf32, #tpu.memory_space<vmem>>, vector<1x16xf32>,
      %parallel_loop3A_22 = vector.shape_cast %parallel_loop3A_21 : vector<1x16xf32> to vector<16xf32>
      %parallel_loop3A_23 = arith.constant 3 : i32
      %parallel_loop3A_24 = arith.index_cast %parallel_loop3A_23 : i32 to index
      %parallel_loop3A_25 = arith.index_cast %parallel_loop3A_7 : i32 to index
      %parallel_loop3A_26 = tpu.vector_load %arg6[%parallel_loop3A_24, %parallel_loop3A_25] {strides = array<i32>} : memref<16x256xf32, #tpu.memory_space<vmem>>, vector<1x16xf32>,
      %parallel_loop3A_27 = vector.shape_cast %parallel_loop3A_26 : vector<1x16xf32> to vector<16xf32>
      %parallel_loop3A_28 = arith.constant 4 : i32
      %parallel_loop3A_29 = arith.index_cast %parallel_loop3A_28 : i32 to index
      %parallel_loop3A_30 = arith.index_cast %parallel_loop3A_7 : i32 to index
      %parallel_loop3A_31 = tpu.vector_load %arg6[%parallel_loop3A_29, %parallel_loop3A_30] {strides = array<i32>} : memref<16x256xf32, #tpu.memory_space<vmem>>, vector<1x16xf32>,
      %parallel_loop3A_32 = vector.shape_cast %parallel_loop3A_31 : vector<1x16xf32> to vector<16xf32>
      %parallel_loop3A_33 = arith.constant 5 : i32
      %parallel_loop3A_34 = arith.index_cast %parallel_loop3A_33 : i32 to index
      %parallel_loop3A_35 = arith.index_cast %parallel_loop3A_7 : i32 to index
      %parallel_loop3A_36 = tpu.vector_load %arg6[%parallel_loop3A_34, %parallel_loop3A_35] {strides = array<i32>} : memref<16x256xf32, #tpu.memory_space<vmem>>, vector<1x16xf32>,
      %parallel_loop3A_37 = vector.shape_cast %parallel_loop3A_36 : vector<1x16xf32> to vector<16xf32>
      %parallel_loop3A_38 = arith.constant 6 : i32
      %parallel_loop3A_39 = arith.index_cast %parallel_loop3A_38 : i32 to index
      %parallel_loop3A_40 = arith.index_cast %parallel_loop3A_7 : i32 to index
      %parallel_loop3A_41 = tpu.vector_load %arg6[%parallel_loop3A_39, %parallel_loop3A_40] {strides = array<i32>} : memref<16x256xf32, #tpu.memory_space<vmem>>, vector<1x16xf32>,
      %parallel_loop3A_42 = vector.shape_cast %parallel_loop3A_41 : vector<1x16xf32> to vector<16xf32>
      %parallel_loop3A_43 = arith.constant 7 : i32
      %parallel_loop3A_44 = arith.index_cast %parallel_loop3A_43 : i32 to index
      %parallel_loop3A_45 = arith.index_cast %parallel_loop3A_7 : i32 to index
      %parallel_loop3A_46 = tpu.vector_load %arg6[%parallel_loop3A_44, %parallel_loop3A_45] {strides = array<i32>} : memref<16x256xf32, #tpu.memory_space<vmem>>, vector<1x16xf32>,
      %parallel_loop3A_47 = vector.shape_cast %parallel_loop3A_46 : vector<1x16xf32> to vector<16xf32>
      %parallel_loop3A_48 = arith.constant 8 : i32
      %parallel_loop3A_49 = arith.index_cast %parallel_loop3A_48 : i32 to index
      %parallel_loop3A_50 = arith.index_cast %parallel_loop3A_7 : i32 to index
      %parallel_loop3A_51 = tpu.vector_load %arg6[%parallel_loop3A_49, %parallel_loop3A_50] {strides = array<i32>} : memref<16x256xf32, #tpu.memory_space<vmem>>, vector<1x16xf32>,
      %parallel_loop3A_52 = vector.shape_cast %parallel_loop3A_51 : vector<1x16xf32> to vector<16xf32>
      %parallel_loop3A_53 = arith.constant 9 : i32
      %parallel_loop3A_54 = arith.index_cast %parallel_loop3A_53 : i32 to index
      %parallel_loop3A_55 = arith.index_cast %parallel_loop3A_7 : i32 to index
      %parallel_loop3A_56 = tpu.vector_load %arg6[%parallel_loop3A_54, %parallel_loop3A_55] {strides = array<i32>} : memref<16x256xf32, #tpu.memory_space<vmem>>, vector<1x16xf32>,
      %parallel_loop3A_57 = vector.shape_cast %parallel_loop3A_56 : vector<1x16xf32> to vector<16xf32>
      %parallel_loop3A_58 = arith.constant 10 : i32
      %parallel_loop3A_59 = arith.index_cast %parallel_loop3A_58 : i32 to index
      %parallel_loop3A_60 = arith.index_cast %parallel_loop3A_7 : i32 to index
      %parallel_loop3A_61 = tpu.vector_load %arg6[%parallel_loop3A_59, %parallel_loop3A_60] {strides = array<i32>} : memref<16x256xf32, #tpu.memory_space<vmem>>, vector<1x16xf32>,
      %parallel_loop3A_62 = vector.shape_cast %parallel_loop3A_61 : vector<1x16xf32> to vector<16xf32>
      %parallel_loop3A_63 = arith.constant 11 : i32
      %parallel_loop3A_64 = arith.index_cast %parallel_loop3A_63 : i32 to index
      %parallel_loop3A_65 = arith.index_cast %parallel_loop3A_7 : i32 to index
      %parallel_loop3A_66 = tpu.vector_load %arg6[%parallel_loop3A_64, %parallel_loop3A_65] {strides = array<i32>} : memref<16x256xf32, #tpu.memory_space<vmem>>, vector<1x16xf32>,
      %parallel_loop3A_67 = vector.shape_cast %parallel_loop3A_66 : vector<1x16xf32> to vector<16xf32>
      %parallel_loop3A_68 = arith.constant 12 : i32
      %parallel_loop3A_69 = arith.index_cast %parallel_loop3A_68 : i32 to index
      %parallel_loop3A_70 = arith.index_cast %parallel_loop3A_7 : i32 to index
      %parallel_loop3A_71 = tpu.vector_load %arg6[%parallel_loop3A_69, %parallel_loop3A_70] {strides = array<i32>} : memref<16x256xf32, #tpu.memory_space<vmem>>, vector<1x16xf32>,
      %parallel_loop3A_72 = vector.shape_cast %parallel_loop3A_71 : vector<1x16xf32> to vector<16xf32>
      %parallel_loop3A_73 = arith.constant 13 : i32
      %parallel_loop3A_74 = arith.index_cast %parallel_loop3A_73 : i32 to index
      %parallel_loop3A_75 = arith.index_cast %parallel_loop3A_7 : i32 to index
      %parallel_loop3A_76 = tpu.vector_load %arg6[%parallel_loop3A_74, %parallel_loop3A_75] {strides = array<i32>} : memref<16x256xf32, #tpu.memory_space<vmem>>, vector<1x16xf32>,
      %parallel_loop3A_77 = vector.shape_cast %parallel_loop3A_76 : vector<1x16xf32> to vector<16xf32>
      %parallel_loop3A_78 = arith.constant 14 : i32
      %parallel_loop3A_79 = arith.index_cast %parallel_loop3A_78 : i32 to index
      %parallel_loop3A_80 = arith.index_cast %parallel_loop3A_7 : i32 to index
      %parallel_loop3A_81 = tpu.vector_load %arg6[%parallel_loop3A_79, %parallel_loop3A_80] {strides = array<i32>} : memref<16x256xf32, #tpu.memory_space<vmem>>, vector<1x16xf32>,
      %parallel_loop3A_82 = vector.shape_cast %parallel_loop3A_81 : vector<1x16xf32> to vector<16xf32>
      %parallel_loop3A_83 = arith.constant 15 : i32
      %parallel_loop3A_84 = arith.index_cast %parallel_loop3A_83 : i32 to index
      %parallel_loop3A_85 = arith.index_cast %parallel_loop3A_7 : i32 to index
      %parallel_loop3A_86 = tpu.vector_load %arg6[%parallel_loop3A_84, %parallel_loop3A_85] {strides = array<i32>} : memref<16x256xf32, #tpu.memory_space<vmem>>, vector<1x16xf32>,
      %parallel_loop3A_87 = vector.shape_cast %parallel_loop3A_86 : vector<1x16xf32> to vector<16xf32>
      %parallel_loop3A_88 = math.exp %parallel_loop3A_12 : vector<16xf32>
      %parallel_loop3A_89 = math.exp %parallel_loop3A_17 : vector<16xf32>
      %parallel_loop3A_90 = math.exp %parallel_loop3A_22 : vector<16xf32>
      %parallel_loop3A_91 = math.exp %parallel_loop3A_27 : vector<16xf32>
      %parallel_loop3A_92 = math.exp %parallel_loop3A_32 : vector<16xf32>
      %parallel_loop3A_93 = math.exp %parallel_loop3A_37 : vector<16xf32>
      %parallel_loop3A_94 = math.exp %parallel_loop3A_42 : vector<16xf32>
      %parallel_loop3A_95 = math.exp %parallel_loop3A_47 : vector<16xf32>
      %parallel_loop3A_96 = math.exp %parallel_loop3A_52 : vector<16xf32>
      %parallel_loop3A_97 = math.exp %parallel_loop3A_57 : vector<16xf32>
      %parallel_loop3A_98 = math.exp %parallel_loop3A_62 : vector<16xf32>
      %parallel_loop3A_99 = math.exp %parallel_loop3A_67 : vector<16xf32>
      %parallel_loop3A_100 = math.exp %parallel_loop3A_72 : vector<16xf32>
      %parallel_loop3A_101 = math.exp %parallel_loop3A_77 : vector<16xf32>
      %parallel_loop3A_102 = math.exp %parallel_loop3A_82 : vector<16xf32>
      %parallel_loop3A_103 = math.exp %parallel_loop3A_87 : vector<16xf32>
      %parallel_loop3A_104 = arith.addf %parallel_loop3A_88, %parallel_loop3A_89 : vector<16xf32>
      %parallel_loop3A_105 = arith.addf %parallel_loop3A_104, %parallel_loop3A_90 : vector<16xf32>
      %parallel_loop3A_106 = arith.addf %parallel_loop3A_105, %parallel_loop3A_91 : vector<16xf32>
      %parallel_loop3A_107 = arith.addf %parallel_loop3A_106, %parallel_loop3A_92 : vector<16xf32>
      %parallel_loop3A_108 = arith.addf %parallel_loop3A_107, %parallel_loop3A_93 : vector<16xf32>
      %parallel_loop3A_109 = arith.addf %parallel_loop3A_108, %parallel_loop3A_94 : vector<16xf32>
      %parallel_loop3A_110 = arith.addf %parallel_loop3A_109, %parallel_loop3A_95 : vector<16xf32>
      %parallel_loop3A_111 = arith.addf %parallel_loop3A_110, %parallel_loop3A_96 : vector<16xf32>
      %parallel_loop3A_112 = arith.addf %parallel_loop3A_111, %parallel_loop3A_97 : vector<16xf32>
      %parallel_loop3A_113 = arith.addf %parallel_loop3A_112, %parallel_loop3A_98 : vector<16xf32>
      %parallel_loop3A_114 = arith.addf %parallel_loop3A_113, %parallel_loop3A_99 : vector<16xf32>
      %parallel_loop3A_115 = arith.addf %parallel_loop3A_114, %parallel_loop3A_100 : vector<16xf32>
      %parallel_loop3A_116 = arith.addf %parallel_loop3A_115, %parallel_loop3A_101 : vector<16xf32>
      %parallel_loop3A_117 = arith.addf %parallel_loop3A_116, %parallel_loop3A_102 : vector<16xf32>
      %parallel_loop3A_118 = arith.addf %parallel_loop3A_117, %parallel_loop3A_103 : vector<16xf32>
      %parallel_loop3A_119 = arith.constant 1.000000e+00 : f32
      %parallel_loop3A_120 = vector.broadcast %parallel_loop3A_119 : f32 to vector<16xf32>
      %parallel_loop3A_121 = arith.divf %parallel_loop3A_120, %parallel_loop3A_118 : vector<16xf32>
      %parallel_loop3A_122 = arith.mulf %parallel_loop3A_88, %parallel_loop3A_121 : vector<16xf32>
      %parallel_loop3A_123 = arith.constant 0 : i32
      %parallel_loop3A_124 = arith.index_cast %parallel_loop3A_123 : i32 to index
      %parallel_loop3A_125 = arith.constant 0 : index
      %parallel_loop3A_126 = tpu.vector_load %arg7[%parallel_loop3A_124, %parallel_loop3A_125] {strides = array<i32>} : memref<16x16xf32, #tpu.memory_space<vmem>>, vector<1x16xf32>,
      %parallel_loop3A_127 = vector.shape_cast %parallel_loop3A_126 : vector<1x16xf32> to vector<16xf32>
      %parallel_loop3A_128 = arith.addf %parallel_loop3A_122, %parallel_loop3A_127 : vector<16xf32>
      %parallel_loop3A_129 = arith.mulf %parallel_loop3A_89, %parallel_loop3A_121 : vector<16xf32>
      %parallel_loop3A_130 = arith.constant 1 : i32
      %parallel_loop3A_131 = arith.index_cast %parallel_loop3A_130 : i32 to index
      %parallel_loop3A_132 = arith.constant 0 : index
      %parallel_loop3A_133 = tpu.vector_load %arg7[%parallel_loop3A_131, %parallel_loop3A_132] {strides = array<i32>} : memref<16x16xf32, #tpu.memory_space<vmem>>, vector<1x16xf32>,
      %parallel_loop3A_134 = vector.shape_cast %parallel_loop3A_133 : vector<1x16xf32> to vector<16xf32>
      %parallel_loop3A_135 = arith.addf %parallel_loop3A_129, %parallel_loop3A_134 : vector<16xf32>
      %parallel_loop3A_136 = arith.mulf %parallel_loop3A_90, %parallel_loop3A_121 : vector<16xf32>
      %parallel_loop3A_137 = arith.constant 2 : i32
      %parallel_loop3A_138 = arith.index_cast %parallel_loop3A_137 : i32 to index
      %parallel_loop3A_139 = arith.constant 0 : index
      %parallel_loop3A_140 = tpu.vector_load %arg7[%parallel_loop3A_138, %parallel_loop3A_139] {strides = array<i32>} : memref<16x16xf32, #tpu.memory_space<vmem>>, vector<1x16xf32>,
      %parallel_loop3A_141 = vector.shape_cast %parallel_loop3A_140 : vector<1x16xf32> to vector<16xf32>
      %parallel_loop3A_142 = arith.addf %parallel_loop3A_136, %parallel_loop3A_141 : vector<16xf32>
      %parallel_loop3A_143 = arith.mulf %parallel_loop3A_91, %parallel_loop3A_121 : vector<16xf32>
      %parallel_loop3A_144 = arith.constant 3 : i32
      %parallel_loop3A_145 = arith.index_cast %parallel_loop3A_144 : i32 to index
      %parallel_loop3A_146 = arith.constant 0 : index
      %parallel_loop3A_147 = tpu.vector_load %arg7[%parallel_loop3A_145, %parallel_loop3A_146] {strides = array<i32>} : memref<16x16xf32, #tpu.memory_space<vmem>>, vector<1x16xf32>,
      %parallel_loop3A_148 = vector.shape_cast %parallel_loop3A_147 : vector<1x16xf32> to vector<16xf32>
      %parallel_loop3A_149 = arith.addf %parallel_loop3A_143, %parallel_loop3A_148 : vector<16xf32>
      %parallel_loop3A_150 = arith.mulf %parallel_loop3A_92, %parallel_loop3A_121 : vector<16xf32>
      %parallel_loop3A_151 = arith.constant 4 : i32
      %parallel_loop3A_152 = arith.index_cast %parallel_loop3A_151 : i32 to index
      %parallel_loop3A_153 = arith.constant 0 : index
      %parallel_loop3A_154 = tpu.vector_load %arg7[%parallel_loop3A_152, %parallel_loop3A_153] {strides = array<i32>} : memref<16x16xf32, #tpu.memory_space<vmem>>, vector<1x16xf32>,
      %parallel_loop3A_155 = vector.shape_cast %parallel_loop3A_154 : vector<1x16xf32> to vector<16xf32>
      %parallel_loop3A_156 = arith.addf %parallel_loop3A_150, %parallel_loop3A_155 : vector<16xf32>
      %parallel_loop3A_157 = arith.mulf %parallel_loop3A_93, %parallel_loop3A_121 : vector<16xf32>
      %parallel_loop3A_158 = arith.constant 5 : i32
      %parallel_loop3A_159 = arith.index_cast %parallel_loop3A_158 : i32 to index
      %parallel_loop3A_160 = arith.constant 0 : index
      %parallel_loop3A_161 = tpu.vector_load %arg7[%parallel_loop3A_159, %parallel_loop3A_160] {strides = array<i32>} : memref<16x16xf32, #tpu.memory_space<vmem>>, vector<1x16xf32>,
      %parallel_loop3A_162 = vector.shape_cast %parallel_loop3A_161 : vector<1x16xf32> to vector<16xf32>
      %parallel_loop3A_163 = arith.addf %parallel_loop3A_157, %parallel_loop3A_162 : vector<16xf32>
      %parallel_loop3A_164 = arith.mulf %parallel_loop3A_94, %parallel_loop3A_121 : vector<16xf32>
      %parallel_loop3A_165 = arith.constant 6 : i32
      %parallel_loop3A_166 = arith.index_cast %parallel_loop3A_165 : i32 to index
      %parallel_loop3A_167 = arith.constant 0 : index
      %parallel_loop3A_168 = tpu.vector_load %arg7[%parallel_loop3A_166, %parallel_loop3A_167] {strides = array<i32>} : memref<16x16xf32, #tpu.memory_space<vmem>>, vector<1x16xf32>,
      %parallel_loop3A_169 = vector.shape_cast %parallel_loop3A_168 : vector<1x16xf32> to vector<16xf32>
      %parallel_loop3A_170 = arith.addf %parallel_loop3A_164, %parallel_loop3A_169 : vector<16xf32>
      %parallel_loop3A_171 = arith.mulf %parallel_loop3A_95, %parallel_loop3A_121 : vector<16xf32>
      %parallel_loop3A_172 = arith.constant 7 : i32
      %parallel_loop3A_173 = arith.index_cast %parallel_loop3A_172 : i32 to index
      %parallel_loop3A_174 = arith.constant 0 : index
      %parallel_loop3A_175 = tpu.vector_load %arg7[%parallel_loop3A_173, %parallel_loop3A_174] {strides = array<i32>} : memref<16x16xf32, #tpu.memory_space<vmem>>, vector<1x16xf32>,
      %parallel_loop3A_176 = vector.shape_cast %parallel_loop3A_175 : vector<1x16xf32> to vector<16xf32>
      %parallel_loop3A_177 = arith.addf %parallel_loop3A_171, %parallel_loop3A_176 : vector<16xf32>
      %parallel_loop3A_178 = arith.mulf %parallel_loop3A_96, %parallel_loop3A_121 : vector<16xf32>
      %parallel_loop3A_179 = arith.constant 8 : i32
      %parallel_loop3A_180 = arith.index_cast %parallel_loop3A_179 : i32 to index
      %parallel_loop3A_181 = arith.constant 0 : index
      %parallel_loop3A_182 = tpu.vector_load %arg7[%parallel_loop3A_180, %parallel_loop3A_181] {strides = array<i32>} : memref<16x16xf32, #tpu.memory_space<vmem>>, vector<1x16xf32>,
      %parallel_loop3A_183 = vector.shape_cast %parallel_loop3A_182 : vector<1x16xf32> to vector<16xf32>
      %parallel_loop3A_184 = arith.addf %parallel_loop3A_178, %parallel_loop3A_183 : vector<16xf32>
      %parallel_loop3A_185 = arith.mulf %parallel_loop3A_97, %parallel_loop3A_121 : vector<16xf32>
      %parallel_loop3A_186 = arith.constant 9 : i32
      %parallel_loop3A_187 = arith.index_cast %parallel_loop3A_186 : i32 to index
      %parallel_loop3A_188 = arith.constant 0 : index
      %parallel_loop3A_189 = tpu.vector_load %arg7[%parallel_loop3A_187, %parallel_loop3A_188] {strides = array<i32>} : memref<16x16xf32, #tpu.memory_space<vmem>>, vector<1x16xf32>,
      %parallel_loop3A_190 = vector.shape_cast %parallel_loop3A_189 : vector<1x16xf32> to vector<16xf32>
      %parallel_loop3A_191 = arith.addf %parallel_loop3A_185, %parallel_loop3A_190 : vector<16xf32>
      %parallel_loop3A_192 = arith.mulf %parallel_loop3A_98, %parallel_loop3A_121 : vector<16xf32>
      %parallel_loop3A_193 = arith.constant 10 : i32
      %parallel_loop3A_194 = arith.index_cast %parallel_loop3A_193 : i32 to index
      %parallel_loop3A_195 = arith.constant 0 : index
      %parallel_loop3A_196 = tpu.vector_load %arg7[%parallel_loop3A_194, %parallel_loop3A_195] {strides = array<i32>} : memref<16x16xf32, #tpu.memory_space<vmem>>, vector<1x16xf32>,
      %parallel_loop3A_197 = vector.shape_cast %parallel_loop3A_196 : vector<1x16xf32> to vector<16xf32>
      %parallel_loop3A_198 = arith.addf %parallel_loop3A_192, %parallel_loop3A_197 : vector<16xf32>
      %parallel_loop3A_199 = arith.mulf %parallel_loop3A_99, %parallel_loop3A_121 : vector<16xf32>
      %parallel_loop3A_200 = arith.constant 11 : i32
      %parallel_loop3A_201 = arith.index_cast %parallel_loop3A_200 : i32 to index
      %parallel_loop3A_202 = arith.constant 0 : index
      %parallel_loop3A_203 = tpu.vector_load %arg7[%parallel_loop3A_201, %parallel_loop3A_202] {strides = array<i32>} : memref<16x16xf32, #tpu.memory_space<vmem>>, vector<1x16xf32>,
      %parallel_loop3A_204 = vector.shape_cast %parallel_loop3A_203 : vector<1x16xf32> to vector<16xf32>
      %parallel_loop3A_205 = arith.addf %parallel_loop3A_199, %parallel_loop3A_204 : vector<16xf32>
      %parallel_loop3A_206 = arith.mulf %parallel_loop3A_100, %parallel_loop3A_121 : vector<16xf32>
      %parallel_loop3A_207 = arith.constant 12 : i32
      %parallel_loop3A_208 = arith.index_cast %parallel_loop3A_207 : i32 to index
      %parallel_loop3A_209 = arith.constant 0 : index
      %parallel_loop3A_210 = tpu.vector_load %arg7[%parallel_loop3A_208, %parallel_loop3A_209] {strides = array<i32>} : memref<16x16xf32, #tpu.memory_space<vmem>>, vector<1x16xf32>,
      %parallel_loop3A_211 = vector.shape_cast %parallel_loop3A_210 : vector<1x16xf32> to vector<16xf32>
      %parallel_loop3A_212 = arith.addf %parallel_loop3A_206, %parallel_loop3A_211 : vector<16xf32>
      %parallel_loop3A_213 = arith.mulf %parallel_loop3A_101, %parallel_loop3A_121 : vector<16xf32>
      %parallel_loop3A_214 = arith.constant 13 : i32
      %parallel_loop3A_215 = arith.index_cast %parallel_loop3A_214 : i32 to index
      %parallel_loop3A_216 = arith.constant 0 : index
      %parallel_loop3A_217 = tpu.vector_load %arg7[%parallel_loop3A_215, %parallel_loop3A_216] {strides = array<i32>} : memref<16x16xf32, #tpu.memory_space<vmem>>, vector<1x16xf32>,
      %parallel_loop3A_218 = vector.shape_cast %parallel_loop3A_217 : vector<1x16xf32> to vector<16xf32>
      %parallel_loop3A_219 = arith.addf %parallel_loop3A_213, %parallel_loop3A_218 : vector<16xf32>
      %parallel_loop3A_220 = arith.mulf %parallel_loop3A_102, %parallel_loop3A_121 : vector<16xf32>
      %parallel_loop3A_221 = arith.constant 14 : i32
      %parallel_loop3A_222 = arith.index_cast %parallel_loop3A_221 : i32 to index
      %parallel_loop3A_223 = arith.constant 0 : index
      %parallel_loop3A_224 = tpu.vector_load %arg7[%parallel_loop3A_222, %parallel_loop3A_223] {strides = array<i32>} : memref<16x16xf32, #tpu.memory_space<vmem>>, vector<1x16xf32>,
      %parallel_loop3A_225 = vector.shape_cast %parallel_loop3A_224 : vector<1x16xf32> to vector<16xf32>
      %parallel_loop3A_226 = arith.addf %parallel_loop3A_220, %parallel_loop3A_225 : vector<16xf32>
      %parallel_loop3A_227 = arith.mulf %parallel_loop3A_103, %parallel_loop3A_121 : vector<16xf32>
      %parallel_loop3A_228 = arith.constant 15 : i32
      %parallel_loop3A_229 = arith.index_cast %parallel_loop3A_228 : i32 to index
      %parallel_loop3A_230 = arith.constant 0 : index
      %parallel_loop3A_231 = tpu.vector_load %arg7[%parallel_loop3A_229, %parallel_loop3A_230] {strides = array<i32>} : memref<16x16xf32, #tpu.memory_space<vmem>>, vector<1x16xf32>,
      %parallel_loop3A_232 = vector.shape_cast %parallel_loop3A_231 : vector<1x16xf32> to vector<16xf32>
      %parallel_loop3A_233 = arith.addf %parallel_loop3A_227, %parallel_loop3A_232 : vector<16xf32>
      %parallel_loop3A_234 = arith.maximumf %parallel_loop3A_128, %parallel_loop3A_135 : vector<16xf32>
      %parallel_loop3A_235 = arith.maximumf %parallel_loop3A_234, %parallel_loop3A_142 : vector<16xf32>
      %parallel_loop3A_236 = arith.maximumf %parallel_loop3A_235, %parallel_loop3A_149 : vector<16xf32>
      %parallel_loop3A_237 = arith.maximumf %parallel_loop3A_156, %parallel_loop3A_163 : vector<16xf32>
      %parallel_loop3A_238 = arith.maximumf %parallel_loop3A_237, %parallel_loop3A_170 : vector<16xf32>
      %parallel_loop3A_239 = arith.maximumf %parallel_loop3A_238, %parallel_loop3A_177 : vector<16xf32>
      %parallel_loop3A_240 = arith.maximumf %parallel_loop3A_184, %parallel_loop3A_191 : vector<16xf32>
      %parallel_loop3A_241 = arith.maximumf %parallel_loop3A_240, %parallel_loop3A_198 : vector<16xf32>
      %parallel_loop3A_242 = arith.maximumf %parallel_loop3A_241, %parallel_loop3A_205 : vector<16xf32>
      %parallel_loop3A_243 = arith.maximumf %parallel_loop3A_212, %parallel_loop3A_219 : vector<16xf32>
      %parallel_loop3A_244 = arith.maximumf %parallel_loop3A_243, %parallel_loop3A_226 : vector<16xf32>
      %parallel_loop3A_245 = arith.maximumf %parallel_loop3A_244, %parallel_loop3A_233 : vector<16xf32>
      %parallel_loop3A_246 = arith.cmpf ogt, %parallel_loop3A_239, %parallel_loop3A_236 : vector<16xf32>
      %parallel_loop3A_247 = arith.cmpf ogt, %parallel_loop3A_242, %parallel_loop3A_236 : vector<16xf32>
      %parallel_loop3A_248 = arith.cmpf ogt, %parallel_loop3A_245, %parallel_loop3A_236 : vector<16xf32>
      %parallel_loop3A_249 = arith.constant 1.000000e+00 : f32
      %parallel_loop3A_250 = arith.constant 0.000000e+00 : f32
      %parallel_loop3A_251 = vector.broadcast %parallel_loop3A_249 : f32 to vector<16xf32>
      %parallel_loop3A_252 = vector.broadcast %parallel_loop3A_250 : f32 to vector<16xf32>
      %parallel_loop3A_253 = arith.select %parallel_loop3A_246, %parallel_loop3A_251, %parallel_loop3A_252 : vector<16xi1>, vector<16xf32>
      %parallel_loop3A_254 = arith.constant 0.000000e+00 : f32
      %parallel_loop3A_255 = vector.broadcast %parallel_loop3A_254 : f32 to vector<16xf32>
      %parallel_loop3A_256 = arith.addf %parallel_loop3A_255, %parallel_loop3A_253 : vector<16xf32>
      %parallel_loop3A_257 = arith.constant 1.000000e+00 : f32
      %parallel_loop3A_258 = arith.constant 0.000000e+00 : f32
      %parallel_loop3A_259 = vector.broadcast %parallel_loop3A_257 : f32 to vector<16xf32>
      %parallel_loop3A_260 = vector.broadcast %parallel_loop3A_258 : f32 to vector<16xf32>
      %parallel_loop3A_261 = arith.select %parallel_loop3A_247, %parallel_loop3A_259, %parallel_loop3A_260 : vector<16xi1>, vector<16xf32>
      %parallel_loop3A_262 = arith.addf %parallel_loop3A_256, %parallel_loop3A_261 : vector<16xf32>
      %parallel_loop3A_263 = arith.constant 1.000000e+00 : f32
      %parallel_loop3A_264 = arith.constant 0.000000e+00 : f32
      %parallel_loop3A_265 = vector.broadcast %parallel_loop3A_263 : f32 to vector<16xf32>
      %parallel_loop3A_266 = vector.broadcast %parallel_loop3A_264 : f32 to vector<16xf32>
      %parallel_loop3A_267 = arith.select %parallel_loop3A_248, %parallel_loop3A_265, %parallel_loop3A_266 : vector<16xi1>, vector<16xf32>
      %parallel_loop3A_268 = arith.addf %parallel_loop3A_262, %parallel_loop3A_267 : vector<16xf32>
      %parallel_loop3A_269 = arith.constant 2.000000e+00 : f32
      %parallel_loop3A_270 = vector.broadcast %parallel_loop3A_269 : f32 to vector<16xf32>
      %parallel_loop3A_271 = arith.cmpf oge, %parallel_loop3A_268, %parallel_loop3A_270 : vector<16xf32>
      %parallel_loop3A_272 = arith.constant -1.000000e+30 : f32
      %parallel_loop3A_273 = arith.constant 0.000000e+00 : f32
      %parallel_loop3A_274 = vector.broadcast %parallel_loop3A_272 : f32 to vector<16xf32>
      %parallel_loop3A_275 = vector.broadcast %parallel_loop3A_273 : f32 to vector<16xf32>
      %parallel_loop3A_276 = arith.select %parallel_loop3A_271, %parallel_loop3A_274, %parallel_loop3A_275 : vector<16xi1>, vector<16xf32>
      %parallel_loop3A_277 = arith.cmpf oge, %parallel_loop3A_236, %parallel_loop3A_239 : vector<16xf32>
      %parallel_loop3A_278 = arith.cmpf ogt, %parallel_loop3A_242, %parallel_loop3A_239 : vector<16xf32>
      %parallel_loop3A_279 = arith.cmpf ogt, %parallel_loop3A_245, %parallel_loop3A_239 : vector<16xf32>
      %parallel_loop3A_280 = arith.constant 1.000000e+00 : f32
      %parallel_loop3A_281 = arith.constant 0.000000e+00 : f32
      %parallel_loop3A_282 = vector.broadcast %parallel_loop3A_280 : f32 to vector<16xf32>
      %parallel_loop3A_283 = vector.broadcast %parallel_loop3A_281 : f32 to vector<16xf32>
      %parallel_loop3A_284 = arith.select %parallel_loop3A_277, %parallel_loop3A_282, %parallel_loop3A_283 : vector<16xi1>, vector<16xf32>
      %parallel_loop3A_285 = arith.constant 0.000000e+00 : f32
      %parallel_loop3A_286 = vector.broadcast %parallel_loop3A_285 : f32 to vector<16xf32>
      %parallel_loop3A_287 = arith.addf %parallel_loop3A_286, %parallel_loop3A_284 : vector<16xf32>
      %parallel_loop3A_288 = arith.constant 1.000000e+00 : f32
      %parallel_loop3A_289 = arith.constant 0.000000e+00 : f32
      %parallel_loop3A_290 = vector.broadcast %parallel_loop3A_288 : f32 to vector<16xf32>
      %parallel_loop3A_291 = vector.broadcast %parallel_loop3A_289 : f32 to vector<16xf32>
      %parallel_loop3A_292 = arith.select %parallel_loop3A_278, %parallel_loop3A_290, %parallel_loop3A_291 : vector<16xi1>, vector<16xf32>
      %parallel_loop3A_293 = arith.addf %parallel_loop3A_287, %parallel_loop3A_292 : vector<16xf32>
      %parallel_loop3A_294 = arith.constant 1.000000e+00 : f32
      %parallel_loop3A_295 = arith.constant 0.000000e+00 : f32
      %parallel_loop3A_296 = vector.broadcast %parallel_loop3A_294 : f32 to vector<16xf32>
      %parallel_loop3A_297 = vector.broadcast %parallel_loop3A_295 : f32 to vector<16xf32>
      %parallel_loop3A_298 = arith.select %parallel_loop3A_279, %parallel_loop3A_296, %parallel_loop3A_297 : vector<16xi1>, vector<16xf32>
      %parallel_loop3A_299 = arith.addf %parallel_loop3A_293, %parallel_loop3A_298 : vector<16xf32>
      %parallel_loop3A_300 = arith.constant 2.000000e+00 : f32
      %parallel_loop3A_301 = vector.broadcast %parallel_loop3A_300 : f32 to vector<16xf32>
      %parallel_loop3A_302 = arith.cmpf oge, %parallel_loop3A_299, %parallel_loop3A_301 : vector<16xf32>
      %parallel_loop3A_303 = arith.constant -1.000000e+30 : f32
      %parallel_loop3A_304 = arith.constant 0.000000e+00 : f32
      %parallel_loop3A_305 = vector.broadcast %parallel_loop3A_303 : f32 to vector<16xf32>
      %parallel_loop3A_306 = vector.broadcast %parallel_loop3A_304 : f32 to vector<16xf32>
      %parallel_loop3A_307 = arith.select %parallel_loop3A_302, %parallel_loop3A_305, %parallel_loop3A_306 : vector<16xi1>, vector<16xf32>
      %parallel_loop3A_308 = arith.cmpf oge, %parallel_loop3A_236, %parallel_loop3A_242 : vector<16xf32>
      %parallel_loop3A_309 = arith.cmpf oge, %parallel_loop3A_239, %parallel_loop3A_242 : vector<16xf32>
      %parallel_loop3A_310 = arith.cmpf ogt, %parallel_loop3A_245, %parallel_loop3A_242 : vector<16xf32>
      %parallel_loop3A_311 = arith.constant 1.000000e+00 : f32
      %parallel_loop3A_312 = arith.constant 0.000000e+00 : f32
      %parallel_loop3A_313 = vector.broadcast %parallel_loop3A_311 : f32 to vector<16xf32>
      %parallel_loop3A_314 = vector.broadcast %parallel_loop3A_312 : f32 to vector<16xf32>
      %parallel_loop3A_315 = arith.select %parallel_loop3A_308, %parallel_loop3A_313, %parallel_loop3A_314 : vector<16xi1>, vector<16xf32>
      %parallel_loop3A_316 = arith.constant 0.000000e+00 : f32
      %parallel_loop3A_317 = vector.broadcast %parallel_loop3A_316 : f32 to vector<16xf32>
      %parallel_loop3A_318 = arith.addf %parallel_loop3A_317, %parallel_loop3A_315 : vector<16xf32>
      %parallel_loop3A_319 = arith.constant 1.000000e+00 : f32
      %parallel_loop3A_320 = arith.constant 0.000000e+00 : f32
      %parallel_loop3A_321 = vector.broadcast %parallel_loop3A_319 : f32 to vector<16xf32>
      %parallel_loop3A_322 = vector.broadcast %parallel_loop3A_320 : f32 to vector<16xf32>
      %parallel_loop3A_323 = arith.select %parallel_loop3A_309, %parallel_loop3A_321, %parallel_loop3A_322 : vector<16xi1>, vector<16xf32>
      %parallel_loop3A_324 = arith.addf %parallel_loop3A_318, %parallel_loop3A_323 : vector<16xf32>
      %parallel_loop3A_325 = arith.constant 1.000000e+00 : f32
      %parallel_loop3A_326 = arith.constant 0.000000e+00 : f32
      %parallel_loop3A_327 = vector.broadcast %parallel_loop3A_325 : f32 to vector<16xf32>
      %parallel_loop3A_328 = vector.broadcast %parallel_loop3A_326 : f32 to vector<16xf32>
      %parallel_loop3A_329 = arith.select %parallel_loop3A_310, %parallel_loop3A_327, %parallel_loop3A_328 : vector<16xi1>, vector<16xf32>
      %parallel_loop3A_330 = arith.addf %parallel_loop3A_324, %parallel_loop3A_329 : vector<16xf32>
      %parallel_loop3A_331 = arith.constant 2.000000e+00 : f32
      %parallel_loop3A_332 = vector.broadcast %parallel_loop3A_331 : f32 to vector<16xf32>
      %parallel_loop3A_333 = arith.cmpf oge, %parallel_loop3A_330, %parallel_loop3A_332 : vector<16xf32>
      %parallel_loop3A_334 = arith.constant -1.000000e+30 : f32
      %parallel_loop3A_335 = arith.constant 0.000000e+00 : f32
      %parallel_loop3A_336 = vector.broadcast %parallel_loop3A_334 : f32 to vector<16xf32>
      %parallel_loop3A_337 = vector.broadcast %parallel_loop3A_335 : f32 to vector<16xf32>
      %parallel_loop3A_338 = arith.select %parallel_loop3A_333, %parallel_loop3A_336, %parallel_loop3A_337 : vector<16xi1>, vector<16xf32>
      %parallel_loop3A_339 = arith.cmpf oge, %parallel_loop3A_236, %parallel_loop3A_245 : vector<16xf32>
      %parallel_loop3A_340 = arith.cmpf oge, %parallel_loop3A_239, %parallel_loop3A_245 : vector<16xf32>
      %parallel_loop3A_341 = arith.cmpf oge, %parallel_loop3A_242, %parallel_loop3A_245 : vector<16xf32>
      %parallel_loop3A_342 = arith.constant 1.000000e+00 : f32
      %parallel_loop3A_343 = arith.constant 0.000000e+00 : f32
      %parallel_loop3A_344 = vector.broadcast %parallel_loop3A_342 : f32 to vector<16xf32>
      %parallel_loop3A_345 = vector.broadcast %parallel_loop3A_343 : f32 to vector<16xf32>
      %parallel_loop3A_346 = arith.select %parallel_loop3A_339, %parallel_loop3A_344, %parallel_loop3A_345 : vector<16xi1>, vector<16xf32>
      %parallel_loop3A_347 = arith.constant 0.000000e+00 : f32
      %parallel_loop3A_348 = vector.broadcast %parallel_loop3A_347 : f32 to vector<16xf32>
      %parallel_loop3A_349 = arith.addf %parallel_loop3A_348, %parallel_loop3A_346 : vector<16xf32>
      %parallel_loop3A_350 = arith.constant 1.000000e+00 : f32
      %parallel_loop3A_351 = arith.constant 0.000000e+00 : f32
      %parallel_loop3A_352 = vector.broadcast %parallel_loop3A_350 : f32 to vector<16xf32>
      %parallel_loop3A_353 = vector.broadcast %parallel_loop3A_351 : f32 to vector<16xf32>
      %parallel_loop3A_354 = arith.select %parallel_loop3A_340, %parallel_loop3A_352, %parallel_loop3A_353 : vector<16xi1>, vector<16xf32>
      %parallel_loop3A_355 = arith.addf %parallel_loop3A_349, %parallel_loop3A_354 : vector<16xf32>
      %parallel_loop3A_356 = arith.constant 1.000000e+00 : f32
      %parallel_loop3A_357 = arith.constant 0.000000e+00 : f32
      %parallel_loop3A_358 = vector.broadcast %parallel_loop3A_356 : f32 to vector<16xf32>
      %parallel_loop3A_359 = vector.broadcast %parallel_loop3A_357 : f32 to vector<16xf32>
      %parallel_loop3A_360 = arith.select %parallel_loop3A_341, %parallel_loop3A_358, %parallel_loop3A_359 : vector<16xi1>, vector<16xf32>
      %parallel_loop3A_361 = arith.addf %parallel_loop3A_355, %parallel_loop3A_360 : vector<16xf32>
      %parallel_loop3A_362 = arith.constant 2.000000e+00 : f32
      %parallel_loop3A_363 = vector.broadcast %parallel_loop3A_362 : f32 to vector<16xf32>
      %parallel_loop3A_364 = arith.cmpf oge, %parallel_loop3A_361, %parallel_loop3A_363 : vector<16xf32>
      %parallel_loop3A_365 = arith.constant -1.000000e+30 : f32
      %parallel_loop3A_366 = arith.constant 0.000000e+00 : f32
      %parallel_loop3A_367 = vector.broadcast %parallel_loop3A_365 : f32 to vector<16xf32>
      %parallel_loop3A_368 = vector.broadcast %parallel_loop3A_366 : f32 to vector<16xf32>
      %parallel_loop3A_369 = arith.select %parallel_loop3A_364, %parallel_loop3A_367, %parallel_loop3A_368 : vector<16xi1>, vector<16xf32>
      %parallel_loop3A_370 = arith.addf %parallel_loop3A_128, %parallel_loop3A_276 : vector<16xf32>
      %parallel_loop3A_371 = arith.addf %parallel_loop3A_135, %parallel_loop3A_276 : vector<16xf32>
      %parallel_loop3A_372 = arith.addf %parallel_loop3A_142, %parallel_loop3A_276 : vector<16xf32>
      %parallel_loop3A_373 = arith.addf %parallel_loop3A_149, %parallel_loop3A_276 : vector<16xf32>
      %parallel_loop3A_374 = arith.addf %parallel_loop3A_156, %parallel_loop3A_307 : vector<16xf32>
      %parallel_loop3A_375 = arith.addf %parallel_loop3A_163, %parallel_loop3A_307 : vector<16xf32>
      %parallel_loop3A_376 = arith.addf %parallel_loop3A_170, %parallel_loop3A_307 : vector<16xf32>
      %parallel_loop3A_377 = arith.addf %parallel_loop3A_177, %parallel_loop3A_307 : vector<16xf32>
      %parallel_loop3A_378 = arith.addf %parallel_loop3A_184, %parallel_loop3A_338 : vector<16xf32>
      %parallel_loop3A_379 = arith.addf %parallel_loop3A_191, %parallel_loop3A_338 : vector<16xf32>
      %parallel_loop3A_380 = arith.addf %parallel_loop3A_198, %parallel_loop3A_338 : vector<16xf32>
      %parallel_loop3A_381 = arith.addf %parallel_loop3A_205, %parallel_loop3A_338 : vector<16xf32>
      %parallel_loop3A_382 = arith.addf %parallel_loop3A_212, %parallel_loop3A_369 : vector<16xf32>
      %parallel_loop3A_383 = arith.addf %parallel_loop3A_219, %parallel_loop3A_369 : vector<16xf32>
      %parallel_loop3A_384 = arith.addf %parallel_loop3A_226, %parallel_loop3A_369 : vector<16xf32>
      %parallel_loop3A_385 = arith.addf %parallel_loop3A_233, %parallel_loop3A_369 : vector<16xf32>
      %parallel_loop3A_386 = arith.constant 0 : i32
      %parallel_loop3A_387 = vector.broadcast %parallel_loop3A_386 : i32 to vector<16xi32>
      %parallel_loop3A_388 = arith.constant -3.000000e+38 : f32
      %parallel_loop3A_389 = vector.broadcast %parallel_loop3A_388 : f32 to vector<16xf32>
      %parallel_loop3A_390 = arith.constant 0 : i32
      %parallel_loop3A_391 = vector.broadcast %parallel_loop3A_390 : i32 to vector<16xi32>
      %parallel_loop3A_392 = arith.constant 1 : i32
      %parallel_loop3A_393 = vector.broadcast %parallel_loop3A_392 : i32 to vector<16xi32>
      %parallel_loop3A_394 = arith.cmpf ogt, %parallel_loop3A_371, %parallel_loop3A_370 : vector<16xf32>
      %parallel_loop3A_395 = arith.cmpf ogt, %parallel_loop3A_371, %parallel_loop3A_389 : vector<16xf32>
      %parallel_loop3A_396 = arith.select %parallel_loop3A_395, %parallel_loop3A_371, %parallel_loop3A_389 : vector<16xi1>, vector<16xf32>
      %parallel_loop3A_397 = arith.select %parallel_loop3A_394, %parallel_loop3A_370, %parallel_loop3A_396 : vector<16xi1>, vector<16xf32>
      %parallel_loop3A_398 = arith.select %parallel_loop3A_395, %parallel_loop3A_393, %parallel_loop3A_391 : vector<16xi1>, vector<16xi32>
      %parallel_loop3A_399 = arith.select %parallel_loop3A_394, %parallel_loop3A_387, %parallel_loop3A_398 : vector<16xi1>, vector<16xi32>
      %parallel_loop3A_400 = arith.select %parallel_loop3A_394, %parallel_loop3A_371, %parallel_loop3A_370 : vector<16xi1>, vector<16xf32>
      %parallel_loop3A_401 = arith.select %parallel_loop3A_394, %parallel_loop3A_393, %parallel_loop3A_387 : vector<16xi1>, vector<16xi32>
      %parallel_loop3A_402 = arith.constant 2 : i32
      %parallel_loop3A_403 = vector.broadcast %parallel_loop3A_402 : i32 to vector<16xi32>
      %parallel_loop3A_404 = arith.cmpf ogt, %parallel_loop3A_372, %parallel_loop3A_400 : vector<16xf32>
      %parallel_loop3A_405 = arith.cmpf ogt, %parallel_loop3A_372, %parallel_loop3A_397 : vector<16xf32>
      %parallel_loop3A_406 = arith.select %parallel_loop3A_405, %parallel_loop3A_372, %parallel_loop3A_397 : vector<16xi1>, vector<16xf32>
      %parallel_loop3A_407 = arith.select %parallel_loop3A_404, %parallel_loop3A_400, %parallel_loop3A_406 : vector<16xi1>, vector<16xf32>
      %parallel_loop3A_408 = arith.select %parallel_loop3A_405, %parallel_loop3A_403, %parallel_loop3A_399 : vector<16xi1>, vector<16xi32>
      %parallel_loop3A_409 = arith.select %parallel_loop3A_404, %parallel_loop3A_401, %parallel_loop3A_408 : vector<16xi1>, vector<16xi32>
      %parallel_loop3A_410 = arith.select %parallel_loop3A_404, %parallel_loop3A_372, %parallel_loop3A_400 : vector<16xi1>, vector<16xf32>
      %parallel_loop3A_411 = arith.select %parallel_loop3A_404, %parallel_loop3A_403, %parallel_loop3A_401 : vector<16xi1>, vector<16xi32>
      %parallel_loop3A_412 = arith.constant 3 : i32
      %parallel_loop3A_413 = vector.broadcast %parallel_loop3A_412 : i32 to vector<16xi32>
      %parallel_loop3A_414 = arith.cmpf ogt, %parallel_loop3A_373, %parallel_loop3A_410 : vector<16xf32>
      %parallel_loop3A_415 = arith.cmpf ogt, %parallel_loop3A_373, %parallel_loop3A_407 : vector<16xf32>
      %parallel_loop3A_416 = arith.select %parallel_loop3A_415, %parallel_loop3A_373, %parallel_loop3A_407 : vector<16xi1>, vector<16xf32>
      %parallel_loop3A_417 = arith.select %parallel_loop3A_414, %parallel_loop3A_410, %parallel_loop3A_416 : vector<16xi1>, vector<16xf32>
      %parallel_loop3A_418 = arith.select %parallel_loop3A_415, %parallel_loop3A_413, %parallel_loop3A_409 : vector<16xi1>, vector<16xi32>
      %parallel_loop3A_419 = arith.select %parallel_loop3A_414, %parallel_loop3A_411, %parallel_loop3A_418 : vector<16xi1>, vector<16xi32>
      %parallel_loop3A_420 = arith.select %parallel_loop3A_414, %parallel_loop3A_373, %parallel_loop3A_410 : vector<16xi1>, vector<16xf32>
      %parallel_loop3A_421 = arith.select %parallel_loop3A_414, %parallel_loop3A_413, %parallel_loop3A_411 : vector<16xi1>, vector<16xi32>
      %parallel_loop3A_422 = arith.constant 4 : i32
      %parallel_loop3A_423 = vector.broadcast %parallel_loop3A_422 : i32 to vector<16xi32>
      %parallel_loop3A_424 = arith.cmpf ogt, %parallel_loop3A_374, %parallel_loop3A_420 : vector<16xf32>
      %parallel_loop3A_425 = arith.cmpf ogt, %parallel_loop3A_374, %parallel_loop3A_417 : vector<16xf32>
      %parallel_loop3A_426 = arith.select %parallel_loop3A_425, %parallel_loop3A_374, %parallel_loop3A_417 : vector<16xi1>, vector<16xf32>
      %parallel_loop3A_427 = arith.select %parallel_loop3A_424, %parallel_loop3A_420, %parallel_loop3A_426 : vector<16xi1>, vector<16xf32>
      %parallel_loop3A_428 = arith.select %parallel_loop3A_425, %parallel_loop3A_423, %parallel_loop3A_419 : vector<16xi1>, vector<16xi32>
      %parallel_loop3A_429 = arith.select %parallel_loop3A_424, %parallel_loop3A_421, %parallel_loop3A_428 : vector<16xi1>, vector<16xi32>
      %parallel_loop3A_430 = arith.select %parallel_loop3A_424, %parallel_loop3A_374, %parallel_loop3A_420 : vector<16xi1>, vector<16xf32>
      %parallel_loop3A_431 = arith.select %parallel_loop3A_424, %parallel_loop3A_423, %parallel_loop3A_421 : vector<16xi1>, vector<16xi32>
      %parallel_loop3A_432 = arith.constant 5 : i32
      %parallel_loop3A_433 = vector.broadcast %parallel_loop3A_432 : i32 to vector<16xi32>
      %parallel_loop3A_434 = arith.cmpf ogt, %parallel_loop3A_375, %parallel_loop3A_430 : vector<16xf32>
      %parallel_loop3A_435 = arith.cmpf ogt, %parallel_loop3A_375, %parallel_loop3A_427 : vector<16xf32>
      %parallel_loop3A_436 = arith.select %parallel_loop3A_435, %parallel_loop3A_375, %parallel_loop3A_427 : vector<16xi1>, vector<16xf32>
      %parallel_loop3A_437 = arith.select %parallel_loop3A_434, %parallel_loop3A_430, %parallel_loop3A_436 : vector<16xi1>, vector<16xf32>
      %parallel_loop3A_438 = arith.select %parallel_loop3A_435, %parallel_loop3A_433, %parallel_loop3A_429 : vector<16xi1>, vector<16xi32>
      %parallel_loop3A_439 = arith.select %parallel_loop3A_434, %parallel_loop3A_431, %parallel_loop3A_438 : vector<16xi1>, vector<16xi32>
      %parallel_loop3A_440 = arith.select %parallel_loop3A_434, %parallel_loop3A_375, %parallel_loop3A_430 : vector<16xi1>, vector<16xf32>
      %parallel_loop3A_441 = arith.select %parallel_loop3A_434, %parallel_loop3A_433, %parallel_loop3A_431 : vector<16xi1>, vector<16xi32>
      %parallel_loop3A_442 = arith.constant 6 : i32
      %parallel_loop3A_443 = vector.broadcast %parallel_loop3A_442 : i32 to vector<16xi32>
      %parallel_loop3A_444 = arith.cmpf ogt, %parallel_loop3A_376, %parallel_loop3A_440 : vector<16xf32>
      %parallel_loop3A_445 = arith.cmpf ogt, %parallel_loop3A_376, %parallel_loop3A_437 : vector<16xf32>
      %parallel_loop3A_446 = arith.select %parallel_loop3A_445, %parallel_loop3A_376, %parallel_loop3A_437 : vector<16xi1>, vector<16xf32>
      %parallel_loop3A_447 = arith.select %parallel_loop3A_444, %parallel_loop3A_440, %parallel_loop3A_446 : vector<16xi1>, vector<16xf32>
      %parallel_loop3A_448 = arith.select %parallel_loop3A_445, %parallel_loop3A_443, %parallel_loop3A_439 : vector<16xi1>, vector<16xi32>
      %parallel_loop3A_449 = arith.select %parallel_loop3A_444, %parallel_loop3A_441, %parallel_loop3A_448 : vector<16xi1>, vector<16xi32>
      %parallel_loop3A_450 = arith.select %parallel_loop3A_444, %parallel_loop3A_376, %parallel_loop3A_440 : vector<16xi1>, vector<16xf32>
      %parallel_loop3A_451 = arith.select %parallel_loop3A_444, %parallel_loop3A_443, %parallel_loop3A_441 : vector<16xi1>, vector<16xi32>
      %parallel_loop3A_452 = arith.constant 7 : i32
      %parallel_loop3A_453 = vector.broadcast %parallel_loop3A_452 : i32 to vector<16xi32>
      %parallel_loop3A_454 = arith.cmpf ogt, %parallel_loop3A_377, %parallel_loop3A_450 : vector<16xf32>
      %parallel_loop3A_455 = arith.cmpf ogt, %parallel_loop3A_377, %parallel_loop3A_447 : vector<16xf32>
      %parallel_loop3A_456 = arith.select %parallel_loop3A_455, %parallel_loop3A_377, %parallel_loop3A_447 : vector<16xi1>, vector<16xf32>
      %parallel_loop3A_457 = arith.select %parallel_loop3A_454, %parallel_loop3A_450, %parallel_loop3A_456 : vector<16xi1>, vector<16xf32>
      %parallel_loop3A_458 = arith.select %parallel_loop3A_455, %parallel_loop3A_453, %parallel_loop3A_449 : vector<16xi1>, vector<16xi32>
      %parallel_loop3A_459 = arith.select %parallel_loop3A_454, %parallel_loop3A_451, %parallel_loop3A_458 : vector<16xi1>, vector<16xi32>
      %parallel_loop3A_460 = arith.select %parallel_loop3A_454, %parallel_loop3A_377, %parallel_loop3A_450 : vector<16xi1>, vector<16xf32>
      %parallel_loop3A_461 = arith.select %parallel_loop3A_454, %parallel_loop3A_453, %parallel_loop3A_451 : vector<16xi1>, vector<16xi32>
      %parallel_loop3A_462 = arith.constant 8 : i32
      %parallel_loop3A_463 = vector.broadcast %parallel_loop3A_462 : i32 to vector<16xi32>
      %parallel_loop3A_464 = arith.cmpf ogt, %parallel_loop3A_378, %parallel_loop3A_460 : vector<16xf32>
      %parallel_loop3A_465 = arith.cmpf ogt, %parallel_loop3A_378, %parallel_loop3A_457 : vector<16xf32>
      %parallel_loop3A_466 = arith.select %parallel_loop3A_465, %parallel_loop3A_378, %parallel_loop3A_457 : vector<16xi1>, vector<16xf32>
      %parallel_loop3A_467 = arith.select %parallel_loop3A_464, %parallel_loop3A_460, %parallel_loop3A_466 : vector<16xi1>, vector<16xf32>
      %parallel_loop3A_468 = arith.select %parallel_loop3A_465, %parallel_loop3A_463, %parallel_loop3A_459 : vector<16xi1>, vector<16xi32>
      %parallel_loop3A_469 = arith.select %parallel_loop3A_464, %parallel_loop3A_461, %parallel_loop3A_468 : vector<16xi1>, vector<16xi32>
      %parallel_loop3A_470 = arith.select %parallel_loop3A_464, %parallel_loop3A_378, %parallel_loop3A_460 : vector<16xi1>, vector<16xf32>
      %parallel_loop3A_471 = arith.select %parallel_loop3A_464, %parallel_loop3A_463, %parallel_loop3A_461 : vector<16xi1>, vector<16xi32>
      %parallel_loop3A_472 = arith.constant 9 : i32
      %parallel_loop3A_473 = vector.broadcast %parallel_loop3A_472 : i32 to vector<16xi32>
      %parallel_loop3A_474 = arith.cmpf ogt, %parallel_loop3A_379, %parallel_loop3A_470 : vector<16xf32>
      %parallel_loop3A_475 = arith.cmpf ogt, %parallel_loop3A_379, %parallel_loop3A_467 : vector<16xf32>
      %parallel_loop3A_476 = arith.select %parallel_loop3A_475, %parallel_loop3A_379, %parallel_loop3A_467 : vector<16xi1>, vector<16xf32>
      %parallel_loop3A_477 = arith.select %parallel_loop3A_474, %parallel_loop3A_470, %parallel_loop3A_476 : vector<16xi1>, vector<16xf32>
      %parallel_loop3A_478 = arith.select %parallel_loop3A_475, %parallel_loop3A_473, %parallel_loop3A_469 : vector<16xi1>, vector<16xi32>
      %parallel_loop3A_479 = arith.select %parallel_loop3A_474, %parallel_loop3A_471, %parallel_loop3A_478 : vector<16xi1>, vector<16xi32>
      %parallel_loop3A_480 = arith.select %parallel_loop3A_474, %parallel_loop3A_379, %parallel_loop3A_470 : vector<16xi1>, vector<16xf32>
      %parallel_loop3A_481 = arith.select %parallel_loop3A_474, %parallel_loop3A_473, %parallel_loop3A_471 : vector<16xi1>, vector<16xi32>
      %parallel_loop3A_482 = arith.constant 10 : i32
      %parallel_loop3A_483 = vector.broadcast %parallel_loop3A_482 : i32 to vector<16xi32>
      %parallel_loop3A_484 = arith.cmpf ogt, %parallel_loop3A_380, %parallel_loop3A_480 : vector<16xf32>
      %parallel_loop3A_485 = arith.cmpf ogt, %parallel_loop3A_380, %parallel_loop3A_477 : vector<16xf32>
      %parallel_loop3A_486 = arith.select %parallel_loop3A_485, %parallel_loop3A_380, %parallel_loop3A_477 : vector<16xi1>, vector<16xf32>
      %parallel_loop3A_487 = arith.select %parallel_loop3A_484, %parallel_loop3A_480, %parallel_loop3A_486 : vector<16xi1>, vector<16xf32>
      %parallel_loop3A_488 = arith.select %parallel_loop3A_485, %parallel_loop3A_483, %parallel_loop3A_479 : vector<16xi1>, vector<16xi32>
      %parallel_loop3A_489 = arith.select %parallel_loop3A_484, %parallel_loop3A_481, %parallel_loop3A_488 : vector<16xi1>, vector<16xi32>
      %parallel_loop3A_490 = arith.select %parallel_loop3A_484, %parallel_loop3A_380, %parallel_loop3A_480 : vector<16xi1>, vector<16xf32>
      %parallel_loop3A_491 = arith.select %parallel_loop3A_484, %parallel_loop3A_483, %parallel_loop3A_481 : vector<16xi1>, vector<16xi32>
      %parallel_loop3A_492 = arith.constant 11 : i32
      %parallel_loop3A_493 = vector.broadcast %parallel_loop3A_492 : i32 to vector<16xi32>
      %parallel_loop3A_494 = arith.cmpf ogt, %parallel_loop3A_381, %parallel_loop3A_490 : vector<16xf32>
      %parallel_loop3A_495 = arith.cmpf ogt, %parallel_loop3A_381, %parallel_loop3A_487 : vector<16xf32>
      %parallel_loop3A_496 = arith.select %parallel_loop3A_495, %parallel_loop3A_381, %parallel_loop3A_487 : vector<16xi1>, vector<16xf32>
      %parallel_loop3A_497 = arith.select %parallel_loop3A_494, %parallel_loop3A_490, %parallel_loop3A_496 : vector<16xi1>, vector<16xf32>
      %parallel_loop3A_498 = arith.select %parallel_loop3A_495, %parallel_loop3A_493, %parallel_loop3A_489 : vector<16xi1>, vector<16xi32>
      %parallel_loop3A_499 = arith.select %parallel_loop3A_494, %parallel_loop3A_491, %parallel_loop3A_498 : vector<16xi1>, vector<16xi32>
      %parallel_loop3A_500 = arith.select %parallel_loop3A_494, %parallel_loop3A_381, %parallel_loop3A_490 : vector<16xi1>, vector<16xf32>
      %parallel_loop3A_501 = arith.select %parallel_loop3A_494, %parallel_loop3A_493, %parallel_loop3A_491 : vector<16xi1>, vector<16xi32>
      %parallel_loop3A_502 = arith.constant 12 : i32
      %parallel_loop3A_503 = vector.broadcast %parallel_loop3A_502 : i32 to vector<16xi32>
      %parallel_loop3A_504 = arith.cmpf ogt, %parallel_loop3A_382, %parallel_loop3A_500 : vector<16xf32>
      %parallel_loop3A_505 = arith.cmpf ogt, %parallel_loop3A_382, %parallel_loop3A_497 : vector<16xf32>
      %parallel_loop3A_506 = arith.select %parallel_loop3A_505, %parallel_loop3A_382, %parallel_loop3A_497 : vector<16xi1>, vector<16xf32>
      %parallel_loop3A_507 = arith.select %parallel_loop3A_504, %parallel_loop3A_500, %parallel_loop3A_506 : vector<16xi1>, vector<16xf32>
      %parallel_loop3A_508 = arith.select %parallel_loop3A_505, %parallel_loop3A_503, %parallel_loop3A_499 : vector<16xi1>, vector<16xi32>
      %parallel_loop3A_509 = arith.select %parallel_loop3A_504, %parallel_loop3A_501, %parallel_loop3A_508 : vector<16xi1>, vector<16xi32>
      %parallel_loop3A_510 = arith.select %parallel_loop3A_504, %parallel_loop3A_382, %parallel_loop3A_500 : vector<16xi1>, vector<16xf32>
      %parallel_loop3A_511 = arith.select %parallel_loop3A_504, %parallel_loop3A_503, %parallel_loop3A_501 : vector<16xi1>, vector<16xi32>
      %parallel_loop3A_512 = arith.constant 13 : i32
      %parallel_loop3A_513 = vector.broadcast %parallel_loop3A_512 : i32 to vector<16xi32>
      %parallel_loop3A_514 = arith.cmpf ogt, %parallel_loop3A_383, %parallel_loop3A_510 : vector<16xf32>
      %parallel_loop3A_515 = arith.cmpf ogt, %parallel_loop3A_383, %parallel_loop3A_507 : vector<16xf32>
      %parallel_loop3A_516 = arith.select %parallel_loop3A_515, %parallel_loop3A_383, %parallel_loop3A_507 : vector<16xi1>, vector<16xf32>
      %parallel_loop3A_517 = arith.select %parallel_loop3A_514, %parallel_loop3A_510, %parallel_loop3A_516 : vector<16xi1>, vector<16xf32>
      %parallel_loop3A_518 = arith.select %parallel_loop3A_515, %parallel_loop3A_513, %parallel_loop3A_509 : vector<16xi1>, vector<16xi32>
      %parallel_loop3A_519 = arith.select %parallel_loop3A_514, %parallel_loop3A_511, %parallel_loop3A_518 : vector<16xi1>, vector<16xi32>
      %parallel_loop3A_520 = arith.select %parallel_loop3A_514, %parallel_loop3A_383, %parallel_loop3A_510 : vector<16xi1>, vector<16xf32>
      %parallel_loop3A_521 = arith.select %parallel_loop3A_514, %parallel_loop3A_513, %parallel_loop3A_511 : vector<16xi1>, vector<16xi32>
      %parallel_loop3A_522 = arith.constant 14 : i32
      %parallel_loop3A_523 = vector.broadcast %parallel_loop3A_522 : i32 to vector<16xi32>
      %parallel_loop3A_524 = arith.cmpf ogt, %parallel_loop3A_384, %parallel_loop3A_520 : vector<16xf32>
      %parallel_loop3A_525 = arith.cmpf ogt, %parallel_loop3A_384, %parallel_loop3A_517 : vector<16xf32>
      %parallel_loop3A_526 = arith.select %parallel_loop3A_525, %parallel_loop3A_384, %parallel_loop3A_517 : vector<16xi1>, vector<16xf32>
      %parallel_loop3A_527 = arith.select %parallel_loop3A_524, %parallel_loop3A_520, %parallel_loop3A_526 : vector<16xi1>, vector<16xf32>
      %parallel_loop3A_528 = arith.select %parallel_loop3A_525, %parallel_loop3A_523, %parallel_loop3A_519 : vector<16xi1>, vector<16xi32>
      %parallel_loop3A_529 = arith.select %parallel_loop3A_524, %parallel_loop3A_521, %parallel_loop3A_528 : vector<16xi1>, vector<16xi32>
      %parallel_loop3A_530 = arith.select %parallel_loop3A_524, %parallel_loop3A_384, %parallel_loop3A_520 : vector<16xi1>, vector<16xf32>
      %parallel_loop3A_531 = arith.select %parallel_loop3A_524, %parallel_loop3A_523, %parallel_loop3A_521 : vector<16xi1>, vector<16xi32>
      %parallel_loop3A_532 = arith.constant 15 : i32
      %parallel_loop3A_533 = vector.broadcast %parallel_loop3A_532 : i32 to vector<16xi32>
      %parallel_loop3A_534 = arith.cmpf ogt, %parallel_loop3A_385, %parallel_loop3A_530 : vector<16xf32>
      %parallel_loop3A_535 = arith.cmpf ogt, %parallel_loop3A_385, %parallel_loop3A_527 : vector<16xf32>
      %parallel_loop3A_536 = arith.select %parallel_loop3A_535, %parallel_loop3A_385, %parallel_loop3A_527 : vector<16xi1>, vector<16xf32>
      %parallel_loop3A_537 = arith.select %parallel_loop3A_534, %parallel_loop3A_530, %parallel_loop3A_536 : vector<16xi1>, vector<16xf32>
      %parallel_loop3A_538 = arith.select %parallel_loop3A_535, %parallel_loop3A_533, %parallel_loop3A_529 : vector<16xi1>, vector<16xi32>
      %parallel_loop3A_539 = arith.select %parallel_loop3A_534, %parallel_loop3A_531, %parallel_loop3A_538 : vector<16xi1>, vector<16xi32>
      %parallel_loop3A_540 = arith.select %parallel_loop3A_534, %parallel_loop3A_385, %parallel_loop3A_530 : vector<16xi1>, vector<16xf32>
      %parallel_loop3A_541 = arith.select %parallel_loop3A_534, %parallel_loop3A_533, %parallel_loop3A_531 : vector<16xi1>, vector<16xi32>
      %parallel_loop3A_542 = arith.constant 0 : i32
      %parallel_loop3A_543 = arith.index_cast %parallel_loop3A_542 : i32 to index
      %parallel_loop3A_544 = arith.index_cast %parallel_loop3A_7 : i32 to index
      %parallel_loop3A_545 = tpu.vector_load %arg8[%parallel_loop3A_543, %parallel_loop3A_544] {strides = array<i32>} : memref<2x256xf32, #tpu.memory_space<vmem>>, vector<1x16xf32>,
      %parallel_loop3A_546 = vector.shape_cast %parallel_loop3A_545 : vector<1x16xf32> to vector<16xf32>
      %parallel_loop3A_547 = vector.shape_cast %parallel_loop3A_540 : vector<16xf32> to vector<1x16xf32>
      tpu.vector_store %arg8[%parallel_loop3A_543, %parallel_loop3A_544], %parallel_loop3A_547 {strides = array<i32>} : memref<2x256xf32, #tpu.memory_space<vmem>>, vector<1x16xf32>,
      %parallel_loop3A_548 = arith.constant 1 : i32
      %parallel_loop3A_549 = arith.index_cast %parallel_loop3A_548 : i32 to index
      %parallel_loop3A_550 = arith.index_cast %parallel_loop3A_7 : i32 to index
      %parallel_loop3A_551 = tpu.vector_load %arg8[%parallel_loop3A_549, %parallel_loop3A_550] {strides = array<i32>} : memref<2x256xf32, #tpu.memory_space<vmem>>, vector<1x16xf32>,
      %parallel_loop3A_552 = vector.shape_cast %parallel_loop3A_551 : vector<1x16xf32> to vector<16xf32>
      %parallel_loop3A_553 = vector.shape_cast %parallel_loop3A_537 : vector<16xf32> to vector<1x16xf32>
      tpu.vector_store %arg8[%parallel_loop3A_549, %parallel_loop3A_550], %parallel_loop3A_553 {strides = array<i32>} : memref<2x256xf32, #tpu.memory_space<vmem>>, vector<1x16xf32>,
      %parallel_loop3A_554 = arith.constant 0 : i32
      %parallel_loop3A_555 = arith.index_cast %parallel_loop3A_554 : i32 to index
      %parallel_loop3A_556 = arith.index_cast %parallel_loop3A_7 : i32 to index
      %parallel_loop3A_557 = tpu.vector_load %arg9[%parallel_loop3A_555, %parallel_loop3A_556] {strides = array<i32>} : memref<2x256xi32, #tpu.memory_space<vmem>>, vector<1x16xi32>,
      %parallel_loop3A_558 = vector.shape_cast %parallel_loop3A_557 : vector<1x16xi32> to vector<16xi32>
      %parallel_loop3A_559 = vector.shape_cast %parallel_loop3A_541 : vector<16xi32> to vector<1x16xi32>
      tpu.vector_store %arg9[%parallel_loop3A_555, %parallel_loop3A_556], %parallel_loop3A_559 {strides = array<i32>} : memref<2x256xi32, #tpu.memory_space<vmem>>, vector<1x16xi32>,
      %parallel_loop3A_560 = arith.constant 1 : i32
      %parallel_loop3A_561 = arith.index_cast %parallel_loop3A_560 : i32 to index
      %parallel_loop3A_562 = arith.index_cast %parallel_loop3A_7 : i32 to index
      %parallel_loop3A_563 = tpu.vector_load %arg9[%parallel_loop3A_561, %parallel_loop3A_562] {strides = array<i32>} : memref<2x256xi32, #tpu.memory_space<vmem>>, vector<1x16xi32>,
      %parallel_loop3A_564 = vector.shape_cast %parallel_loop3A_563 : vector<1x16xi32> to vector<16xi32>
      %parallel_loop3A_565 = vector.shape_cast %parallel_loop3A_539 : vector<16xi32> to vector<1x16xi32>
      tpu.vector_store %arg9[%parallel_loop3A_561, %parallel_loop3A_562], %parallel_loop3A_565 {strides = array<i32>} : memref<2x256xi32, #tpu.memory_space<vmem>>, vector<1x16xi32>,
    } {sc.loop_unroll_factor = 2 : i64, sc.parallel_access}
    "tpu.region"() ({
      %run_scoped3A = tpu.sem_alloc : memref<!tpu.dma_semaphore, #tpu.memory_space<semaphore_mem>>
      %dma_start3A = arith.constant 0 : i32
      %dma_start3A_5 = tpu.memref_slice %arg4[%dma_start3A, %mul3A_2] : memref<2x8192xf32, #tpu.memory_space<hbm>> -> memref<2x256xf32, #tpu.memory_space<hbm>>
      %dma_start3A_6 = arith.constant 0 : i32
      %dma_start3A_7 = tpu.memref_slice %arg4[%dma_start3A_6, %mul3A_2] : memref<2x8192xf32, #tpu.memory_space<hbm>> -> memref<2x256xf32, #tpu.memory_space<hbm>>
      tpu.enqueue_dma source(%arg8 : memref<2x256xf32, #tpu.memory_space<vmem>>) target(%dma_start3A_7 : memref<2x256xf32, #tpu.memory_space<hbm>>) target_semaphore(%run_scoped3A : memref<!tpu.dma_semaphore, #tpu.memory_space<semaphore_mem>>)
      %dma_wait3A = arith.constant 0 : i32
      %dma_wait3A_8 = tpu.memref_slice %arg4[%dma_wait3A, %mul3A_2] : memref<2x8192xf32, #tpu.memory_space<hbm>> -> memref<2x256xf32, #tpu.memory_space<hbm>>
      %dma_wait3A_9 = arith.constant 0 : i32
      %dma_wait3A_10 = tpu.memref_slice %arg4[%dma_wait3A_9, %mul3A_2] : memref<2x8192xf32, #tpu.memory_space<hbm>> -> memref<2x256xf32, #tpu.memory_space<hbm>>
      tpu.wait_dma2 semaphore(%run_scoped3A : memref<!tpu.dma_semaphore, #tpu.memory_space<semaphore_mem>>) src(%arg8 : memref<2x256xf32, #tpu.memory_space<vmem>>) dst(%dma_wait3A_10 : memref<2x256xf32, #tpu.memory_space<hbm>>)
      tpu.yield
    }) : () -> ()
    "tpu.region"() ({
      %run_scoped3A = tpu.sem_alloc : memref<!tpu.dma_semaphore, #tpu.memory_space<semaphore_mem>>
      %dma_start3A = arith.constant 0 : i32
      %dma_start3A_5 = tpu.memref_slice %arg5[%dma_start3A, %mul3A_2] : memref<2x8192xi32, #tpu.memory_space<hbm>> -> memref<2x256xi32, #tpu.memory_space<hbm>>
      %dma_start3A_6 = arith.constant 0 : i32
      %dma_start3A_7 = tpu.memref_slice %arg5[%dma_start3A_6, %mul3A_2] : memref<2x8192xi32, #tpu.memory_space<hbm>> -> memref<2x256xi32, #tpu.memory_space<hbm>>
      tpu.enqueue_dma source(%arg9 : memref<2x256xi32, #tpu.memory_space<vmem>>) target(%dma_start3A_7 : memref<2x256xi32, #tpu.memory_space<hbm>>) target_semaphore(%run_scoped3A : memref<!tpu.dma_semaphore, #tpu.memory_space<semaphore_mem>>)
      %dma_wait3A = arith.constant 0 : i32
      %dma_wait3A_8 = tpu.memref_slice %arg5[%dma_wait3A, %mul3A_2] : memref<2x8192xi32, #tpu.memory_space<hbm>> -> memref<2x256xi32, #tpu.memory_space<hbm>>
      %dma_wait3A_9 = arith.constant 0 : i32
      %dma_wait3A_10 = tpu.memref_slice %arg5[%dma_wait3A_9, %mul3A_2] : memref<2x8192xi32, #tpu.memory_space<hbm>> -> memref<2x256xi32, #tpu.memory_space<hbm>>
      tpu.wait_dma2 semaphore(%run_scoped3A : memref<!tpu.dma_semaphore, #tpu.memory_space<semaphore_mem>>) src(%arg9 : memref<2x256xi32, #tpu.memory_space<vmem>>) dst(%dma_wait3A_10 : memref<2x256xi32, #tpu.memory_space<hbm>>)
      tpu.yield
    }) : () -> ()
    return
  }
}

module attributes {stable_mosaic.version = 14 : i64} {
  func.func @_logits_body(%arg0: i32, %arg1: memref<512x4096xf32, #tpu.memory_space<vmem>>, %arg2: memref<16x4096xf32, #tpu.memory_space<vmem>>, %arg3: memref<16x128xf32, #tpu.memory_space<vmem>>, %arg4: memref<16x512xf32, #tpu.memory_space<vmem>>) attributes {dimension_semantics = [#tpu.dimension_semantics<arbitrary>], iteration_bounds = array<i64: 16>, scalar_prefetch = 0 : i64, scratch_operands = 0 : i64, tpu.core_type = #tpu.core_type<tc>, window_params = [{transform_indices = @transform_0, window_bounds = array<i64: 512, 4096>}, {pipeline_mode = #tpu.pipeline_mode<synchronous>, transform_indices = @transform_1, window_bounds = array<i64: 16, 4096>}, {pipeline_mode = #tpu.pipeline_mode<synchronous>, transform_indices = @transform_2, window_bounds = array<i64: 16, 128>}, {transform_indices = @transform_3, window_bounds = array<i64: 16, 512>}]} {
    %get3A = arith.constant 0 : index
    %get3A_0 = arith.constant 0 : index
    %get3A_1 = vector.load %arg1[%get3A, %get3A_0] : memref<512x4096xf32, #tpu.memory_space<vmem>>, vector<512x4096xf32>
    %get3A_2 = arith.constant 0 : index
    %get3A_3 = arith.constant 0 : index
    %get3A_4 = vector.load %arg2[%get3A_2, %get3A_3] : memref<16x4096xf32, #tpu.memory_space<vmem>>, vector<16x4096xf32>
    %dot_general3A = arith.constant dense<0.000000e+00> : vector<16x512xf32>
    %dot_general3A_5 = tpu.matmul %get3A_4, %get3A_1, %dot_general3A {dimension_numbers = #tpu.dot_dimension_numbers<[1], [1], [0], [0], [0, 0, 1, 0], [], []>, transpose_lhs_hint = false} : vector<16x4096xf32>, vector<512x4096xf32>, vector<16x512xf32> -> vector<16x512xf32>
    %get3A_6 = arith.constant 0 : index
    %get3A_7 = arith.constant 0 : index
    %get3A_8 = vector.load %arg3[%get3A_6, %get3A_7] : memref<16x128xf32, #tpu.memory_space<vmem>>, vector<16x1xf32>
    %add3A = vector.broadcast %get3A_8 : vector<16x1xf32> to vector<16x512xf32>
    %add3A_9 = arith.addf %dot_general3A_5, %add3A : vector<16x512xf32>
    %swap3A = arith.constant 0 : index
    %swap3A_10 = arith.constant 0 : index
    %swap3A_11 = vector.load %arg4[%swap3A, %swap3A_10] : memref<16x512xf32, #tpu.memory_space<vmem>>, vector<16x512xf32>
    tpu.vector_store %arg4[%swap3A, %swap3A_10], %add3A_9 {strides = array<i32>} : memref<16x512xf32, #tpu.memory_space<vmem>>, vector<16x512xf32>,
    return
  }
  func.func @transform_0(%arg0: i32) -> (i32, i32) {
    %c0_i32 = arith.constant 0 : i32
    %c0_i32_0 = arith.constant 0 : i32
    return %arg0, %c0_i32 : i32, i32
  }
  func.func @transform_1(%arg0: i32) -> (i32, i32) {
    %c0_i32 = arith.constant 0 : i32
    %c0_i32_0 = arith.constant 0 : i32
    %c0_i32_1 = arith.constant 0 : i32
    return %c0_i32, %c0_i32_0 : i32, i32
  }
  func.func @transform_2(%arg0: i32) -> (i32, i32) {
    %c0_i32 = arith.constant 0 : i32
    %c0_i32_0 = arith.constant 0 : i32
    %c0_i32_1 = arith.constant 0 : i32
    return %c0_i32, %c0_i32_0 : i32, i32
  }
  func.func @transform_3(%arg0: i32) -> (i32, i32) {
    %c0_i32 = arith.constant 0 : i32
    %c0_i32_0 = arith.constant 0 : i32
    return %c0_i32, %arg0 : i32, i32
  }
}

</mosaic_0001>

<sc_bundles>
// kernel: kernel.4.cloned.1.call-start
scs
__scs_entry_jumppad:
0x0: {  	(pc) =	sbr.rel $0x88, $3  }
0x1: {  	(tag) =	ssettag $0x0;
	lr =	simm.s32 $0x1  }
0x2: {  	[smem:$0x3F9D] =	sst lr;
	_ =	strace $0xD0000000  }
0x3: {  	_ = 	snop  }
0x4: {  	_ = 	snop  }
0x5: {  	_ = 	snop  }
0x6: {  	_ = 	snop  }
0x7: {  	_ = 	snop  }
__scs_overlays_trampoline_lowered:
0x8: {  	[smem:$0x3FAC] =	sst s0  }
0x9: {  	[smem:$0x3FAD] =	sst s1  }
0xa: {  	[smem:$0x3FAE] =	sst s2  }
0xb: {  	[smem:$0x3FAF] =	sst s3  }
0xc: {  	[smem:$0x3FB0] =	sst s4  }
0xd: {  	[smem:$0x3FB1] =	sst s5  }
0xe: {  	[smem:$0x3FB2] =	sst s6  }
0xf: {  	[smem:$0x3FB3] =	sst s7  }
0x10: {  	[smem:$0x3FB4] =	sst s8  }
0x11: {  	[smem:$0x3FB5] =	sst s9;
	s0 =	simm.s32 @!p0 $0x0  }
0x12: {  	s1 =	sld [smem:$0x3F9B];
	s0 =	simm.s32 @p0 $0x1  }
0x13: {  	[smem:$0x3FB6] =	sst s0;
	s0 =	simm.s32 @!p1 $0x0  }
0x14: {  	s2 =	sld [smem:$0x3F9A];
	s0 =	simm.s32 @p1 $0x1  }
0x15: {  	[smem:$0x3FB7] =	sst s0;
	s0 =	simm.s32 @!p2 $0x0  }
0x16: {  	s3 =	sld [smem:$0x3FDB];
	s0 =	simm.s32 @p2 $0x1  }
0x17: {  	s4 =	simm.s32 $0x1BF5;
	[smem:$0x3FB9] =	sst s0  }
0x18: {  	s0 =	sld [smem:$0x3F9C];
	_ =	swait.ge [sflag:s4], $0x0  }
0x19: {  	s7 =	sld [smem:$0x3F9D]  }
0x1a: {  	s8 =	sadd.s32 $0xFFFFE003, lr  }
0x1b: {  	s9 =	sadd.s32 $0xFFFFFEF7, lr;
	s5 =	simm.s32 $0xFFFFFFFF;
	p2 =	slt.u32 s8, $0xFFFFF086  }
0x1c: {  	p1 =	slt.u32 s9, $0xF7A;
	s5 =	simm.s32 @!p2 $0x0  }
0x1d: {  	s5 =	simm.s32 @p1 $0x1;
	p0 =	seq.s32 s7, s2  }
0x1e: {  	s7 =	smul.u32 @!p0 $0xF7A, s2;
	p2 =	seq.s32 @!p0 s5, $0x0  }
0x1f: {  	s9 =	smul.u32 $0xF7A, s1;
	s8 =	simm.s32 @!p0 $0x1BF5;
	p2 =	por !p2, p0  }
0x20: {  	[sflag:s8] =	ssyncset.s32 @!p0 $0xFFFFF086;
	s6 =	sadd.s32 @!p0 s3, s7;
	s7 =	simm.s32 @!p0 $0x108  }
0x21: {  	s3 =	sadd.s32 s3, s9;
	s6 =	sadd.s32 @!p0 $0x88, s6;
	s7 =	simm.s32 @p2 $0x1082  }
0x22: {  	[simem:s7], [sflag:s8] =	dma.local @!p0 [hbm:s6], $0xF7A  }
0x23: {  	s9 =	sor.u32 $0xD0000000, s2;
	s6 =	simm.s32 $0x108;
	_ =	swait.ge @!p0 [sflag:s8], $0x0  }
0x24: {  	s3 =	sadd.s32 $0x88, s3;
	s6 =	simm.s32 @!p1 $0x1082;
	[sflag:s4] =	ssyncset.s32 $0xFFFFF086  }
0x25: {  	[simem:s6], [sflag:s4] =	dma.local [hbm:s3], $0xF7A  }
0x26: {  	[smem:$0x3F9D] =	sst s1;
	(tag) =	ssettag s2;
	_ =	strace s9  }
0x27: {  	s1 =	sld [smem:$0x3FAD]  }
0x28: {  	s2 =	sld [smem:$0x3FAE]  }
0x29: {  	s4 =	sld [smem:$0x3FB0]  }
0x2a: {  	p0 =	seq.s32 s5, $0x0;
	s5 =	sld [smem:$0x3FB1]  }
0x2b: {  	s6 =	sld [smem:$0x3FB2]  }
0x2c: {  	s7 =	sld [smem:$0x3FB3]  }
0x2d: {  	s3 =	simm.s32 $0x108;
	s8 =	sld [smem:$0x3FB4]  }
0x2e: {  	s3 =	simm.s32 @!p0 $0x1082;
	s9 =	sld [smem:$0x3FB5]  }
0x2f: {  	lr =	sadd.s32 s0, s3;
	s0 =	sld [smem:$0x3FAC]  }
0x30: {  	s3 =	sld [smem:$0x3FAF]  }
0x31: {  	[smem:$0x3FB8] =	sst s10  }
0x32: {  	s10 =	sld [smem:$0x3FB6];
	_ =	sdelay $0x3  }
0x33: {  	p0 =	seq.s32 s10, $0x1;
	s10 =	sld [smem:$0x3FB8];
	_ =	sdelay $0x3  }
0x34: {  	[smem:$0x3FB8] =	sst s10  }
0x35: {  	s10 =	sld [smem:$0x3FB7];
	_ =	sdelay $0x3  }
0x36: {  	p1 =	seq.s32 s10, $0x1;
	s10 =	sld [smem:$0x3FB8];
	_ =	sdelay $0x3  }
0x37: {  	[smem:$0x3FB8] =	sst s10  }
0x38: {  	s10 =	sld [smem:$0x3FB9]  }
0x39: {  	_ = 	snop;
	(pc) =	sbr.ind lr, $3  }
0x3a: {  	_ = 	snop  }
0x3b: {  	_ = 	snop  }
0x3c: {  	p2 =	seq.s32 s10, $0x1;
	s10 =	sld [smem:$0x3FB8]  }
0x3d: {  	_ =	shalt  }
0x3e: {  	_ =	shalt  }
0x3f: {  	_ =	shalt  }
0x40: {  	_ =	shalt  }
0x41: {  	_ =	shalt  }
0x42: {  	_ =	shalt  }
0x43: {  	_ =	shalt  }
0x44: {  	_ =	shalt  }
0x45: {  	_ =	shalt  }
0x46: {  	_ =	shalt  }
0x47: {  	_ =	shalt  }
0x48: {  	_ =	shalt  }
0x49: {  	_ =	shalt  }
0x4a: {  	_ =	shalt  }
0x4b: {  	_ =	shalt  }
0x4c: {  	_ =	shalt  }
0x4d: {  	_ =	shalt  }
0x4e: {  	_ =	shalt  }
0x4f: {  	_ =	shalt  }
0x50: {  	_ =	shalt  }
0x51: {  	_ =	shalt  }
0x52: {  	_ =	shalt  }
0x53: {  	_ =	shalt  }
0x54: {  	_ =	shalt  }
0x55: {  	_ =	shalt  }
0x56: {  	_ =	shalt  }
0x57: {  	_ =	shalt  }
0x58: {  	_ =	shalt  }
0x59: {  	_ =	shalt  }
0x5a: {  	_ =	shalt  }
0x5b: {  	_ =	shalt  }
0x5c: {  	_ =	shalt  }
0x5d: {  	_ =	shalt  }
0x5e: {  	_ =	shalt  }
0x5f: {  	_ =	shalt  }
0x60: {  	_ =	shalt  }
0x61: {  	_ =	shalt  }
0x62: {  	_ =	shalt  }
0x63: {  	_ =	shalt  }
0x64: {  	_ =	shalt  }
0x65: {  	_ =	shalt  }
0x66: {  	_ =	shalt  }
0x67: {  	_ =	shalt  }
0x68: {  	_ =	shalt  }
0x69: {  	_ =	shalt  }
0x6a: {  	_ =	shalt  }
0x6b: {  	_ =	shalt  }
0x6c: {  	_ =	shalt  }
0x6d: {  	_ =	shalt  }
0x6e: {  	_ =	shalt  }
0x6f: {  	_ =	shalt  }
0x70: {  	_ =	shalt  }
0x71: {  	_ =	shalt  }
0x72: {  	_ =	shalt  }
0x73: {  	_ =	shalt  }
0x74: {  	_ =	shalt  }
0x75: {  	_ =	shalt  }
0x76: {  	_ =	shalt  }
0x77: {  	_ =	shalt  }
0x78: {  	_ =	shalt  }
0x79: {  	_ =	shalt  }
0x7a: {  	_ =	shalt  }
0x7b: {  	_ =	shalt  }
0x7c: {  	_ =	shalt  }
0x7d: {  	_ =	shalt  }
0x7e: {  	_ =	shalt  }
0x7f: {  	_ =	shalt  }
0x80: {  	_ =	shalt  }
0x81: {  	_ =	shalt  }
0x82: {  	_ =	shalt  }
0x83: {  	_ =	shalt  }
0x84: {  	_ =	shalt  }
0x85: {  	_ =	shalt  }
0x86: {  	_ =	shalt  }
0x87: {  	_ =	shalt  }
.Lfunc_end0:
.L_simem_size_0:
called_computation_lowered:
.L_overlay_start_0:
0x88: {  	s2 =	sld [smem:$0x3FD9]  }
0x89: {  	s3 =	sld [smem:$0x3FFE];
	_ =	sdelay $0x1  }
0x8a: {  	s1 =	srdreg.scid  }
0x8b: {  	s0 =	sand.u32 $0x1, s1  }
0x8c: {  	s14 =	sshll.u32 s0, $0xA;
	s2 =	sadd.s32 s3, s2  }
0x8d: {  	s2 =	sadd.s32 s2, s14  }
0x8e: {  	[smem:$0x3FC4] =	sst s2  }
0x8f: {  	_ = 	snop  }
0x90: {  	s2 =	sld [smem:$0x3FD0];
	_ =	sdelay $0x2  }
0x91: {  	s15 =	simm.s32 $0xA;
	s4 =	simm.s32 $0x10  }
0x92: {  	[smem:s4], [sflag:s15] =	dma.local [hbm:s2], $0x1  }
0x93: {  	_ =	swait.eq [sflag:s15], $0x1  }
0x94: {  	[sflag:s15] =	ssyncset.done $0x0  }
0x95: {  	s16 =	sld [smem:$0x10];
	[sflag:s15] =	ssyncadd.s32 $0xFFFFFFFF  }
0x96: {  	s17 =	sld [smem:$0x11];
	(tm) =	ssettm $0x1  }
0x97: {  	s18 =	sld [smem:$0x3FFB];
	_ =	sdelay $0x3  }
0x98: {  	_ =	strace s18  }
0x99: {  	s4 =	sld [smem:$0x3FFC];
	_ =	sdelay $0x3  }
0x9a: {  	_ =	strace s4  }
0x9b: {  	s4 =	sld [smem:$0x3FFD];
	_ =	sdelay $0x3  }
0x9c: {  	_ =	strace s4  }
0x9d: {  	_ =	strace $0x8FFFFFFF  }
0x9e: {  	s19 =	sld [smem:$0x3FDB];
	_ =	sdelay $0x1  }
0x9f: {  	s5 =	simm.s32 $_scs_section_size  }
0xa0: {  	s6 =	simm.s32 $_size__tile_overlayer_lowered;
	s7 =	simm.s32 $_tile_overlayer_lowered  }
0xa1: {  	s22 =	simm.s32 $0x1BFF;
	s21 =	sshll.u32 s7, $0x1;
	s4 =	sadd.s32 s5, s19  }
0xa2: {  	s8 =	simm.s32 $0x0;
	s20 =	sshll.u32 s6, $0x1;
	s6 =	sadd.s32 s21, s4  }
0xa3: {  	[timem:s8], [sflag:s22] =	dma.local [hbm:s6], s20  }
0xa4: {  	_ =	swait.ge [sflag:s22], s20  }
0xa5: {  	s5 =	ssub.s32 $0x0, s20;
	[sflag:s22] =	ssyncset.done $0x0  }
0xa6: {  	[sflag:s22] =	ssyncadd.s32 s5;
	_ =	sdelay $0x1  }
0xa7: {  	s23 =	simm.s32 $0x1B8B  }
0xa8: {  	_ =	swait.ge [sflag:s23], $0x1  }
0xa9: {  	[sflag:s23] =	ssyncset.done $0x0  }
0xaa: {  	s25 =	simm.s32 $0x1B8E;
	s24 =	sld [smem:$0x3FFE];
	[sflag:s23] =	ssyncadd.s32 $0xFFFFFFFF  }
0xab: {  	s26 =	simm.s32 $execute0_lowered;
	[smem:$0x3FD2] =	sst s25  }
0xac: {  	s6 =	sshll.u32 s26, $0x1;
	_ =	strace $0x80000046;
	[dreg:$0x1] =	wrdreg $0xFFFFFFFF  }
0xad: {  	s28 =	simm.s32 $_size_execute0_lowered;
	s4 =	sadd.s32 s4, s6;
	[dreg:$0x0] =	wrdreg $0x0  }
0xae: {  	s6 =	sshll.u32 s28, $0x1;
	[dreg:$0x2] =	wrdreg s4  }
0xaf: {  	[dreg:$0x3] =	wrdreg s6  }
0xb0: {  	[dreg:$0x4] =	wrdreg $0xC0  }
0xb1: {  	_ =	task [dreg:s8], $0x5FFFF  }
0xb2: {  	[dreg:$0x1] =	wrdreg $0xFFFFFFFF  }
0xb3: {  	[dreg:$0x0] =	wrdreg $0x60  }
0xb4: {  	[dreg:$0x2] =	wrdreg s24  }
0xb5: {  	[dreg:$0x3] =	wrdreg s16  }
0xb6: {  	[dreg:$0x4] =	wrdreg s17  }
0xb7: {  	[dreg:$0x5] =	wrdreg $0x9  }
0xb8: {  	_ =	task.clear_ibuf [dreg:s8], $0x6FFFF;
	_ =	strace $0x90000046  }
0xb9: {  	s29 =	simm.s32 $0x9;
	_ =	strace $0x80000048  }
0xba: {  	_ =	swait.ge [sflag:s29], $0x1  }
0xbb: {  	[sflag:s29] =	ssyncadd.s32 $0xFFFFFFFF  }
0xbc: {  	_ =	strace $0x90000048  }
0xbd: {  	_ =	sfence  }
0xbe: {  	s30 =	sld [smem:$0x0];
	_ =	sdelay $0x2  }
0xbf: {  	s31 =	sshll.u32 s1, $0xD;
	s1 =	sshrl.u32 s1, $0x2  }
0xc0: {  	s3 =	sand.u32 $0x4000, s31;
	s1 =	sadd.s32 s1, s30  }
0xc1: {  	s0 =	sor.u32 s3, s0;
	s1 =	sshll.u32 s1, $0x11  }
0xc2: {  	s0 =	sor.u32 s1, s0  }
0xc3: {  	s0 =	sadd.s32 $0x8F2B, s0  }
0xc4: {  	[sflag:s0] =	ssyncadd.remote.s32 $0x1  }
0xc5: {  	_ =	sfence.sel $0xFFFF  }
0xc6: {  	[dreg:$0x0] =	wrdreg $0xFFFFFFFF;
	(pc) =	sbr.abs _section_cstart, $3  }
0xc7: {  	[dreg:$0x1] =	wrdreg $0xFFFFFFFF  }
0xc8: {  	_ =	task.clear_ibuf [dreg:s8], $0x2FFFF;
	_ =	strace $0x9FFFFFFF  }
0xc9: {  	(tm) =	ssettm $0x7FFFFFFF  }
tec
execute0_lowered:
.L_overlay_start_1:
0x0: {  	(tag) =	ssettag $0x1  }
0x1: {  	s3 =	rddreg [dreg:$0x0]  }
0x2: {  	s5 =	rddreg [dreg:$0x1]  }
0x3: {  	s6 =	rddreg [dreg:$0x2];
	s2 =	srdreg.scid  }
0x4: {  	s0 =	rddreg [dreg:$0x3];
	s1 =	stileid.u32  }
0x5: {  	s10 =	simm.s32 $0x800;
	s11 =	simm.s32 $0x10000;
	s12 =	simm.s32 $0x1800  }
0x6: {  	s13 =	simm.s32 $0x1A00;
	s14 =	simm.s32 $0x0;
	s4 =	sand.u32 $0x1, s2  }
0x7: {  	s2 =	simm.s32 $0x0;
	s7 =	sshll.u32 s1, $0x9;
	s8 =	sshll.u32 s4, $0x8  }
0x8: {  	[smem:$0x7FF] =	sst s2;
	s4 =	ssub.s32 $0x2, s4;
	s7 =	sor.u32 s8, s7  }
0x9: {  	_ =	strace $0x80000047;
	s9 =	sshrl.u32 s4, $0x1;
	s8 =	sadd.s32 s7, s3  }
0xa: {  	s3 =	sadd.s32 $0x4E00, s3;
	s7 =	sshrl.u32 s7, $0x2;
	s9 =	ssub.s32 s4, s9  }
0xb: {  	s4 =	sadd.s32 $0xE00, s8;
	s5 =	sadd.s32 s5, s7;
	s6 =	sadd.s32 s6, s7  }
0xc: {  	v0 =	vimm.f32 $0.0e+00;
	v1 =	vimm.s32 $0x0;
	s7 =	smax.u32 s9, $0x1;
	s8 =	simm.s32 $0x1000;
	s9 =	simm.s32 $0x1  }
.LBB2_1:
0xd: {  	[tilespmem:s8], [sflag:$0x1] =	stream.linear.gather [hbm4b:s3+s2], $0x800, $0x38;
	[tilespmem:$0x1C00] =	vst v63  }
0xe: {  	_ =	swait.ge [sflag:s9], $0x800  }
0xf: {  	[sflag:s9] =	ssyncset.done $0x0  }
0x10: {  	[sflag:s9] =	ssyncadd.s32 $0xFFFFF800  }
0x11: {  	[tilespmem:s2], [sflag:$0x1] =	stream.strided.gather [hbm4b:s4+s10], $0x1000, s11, s10, $0x38;
	[tilespmem:$0x1C00] =	vst v63  }
0x12: {  	s16 =	sand.u32 $0x60, s2;
	s15 =	simm.s32 $0x0;
	_ =	swait.ge [sflag:s9], $0x1000  }
0x13: {  	s15 =	sand.u32 $0x3FFFFC00, s15;
	s17 =	sor.u32 $0x10, s16;
	[sflag:s9] =	ssyncset.done $0x0  }
0x14: {  	s18 =	sor.u32 s17, s15;
	[sflag:s9] =	ssyncadd.s32 $0xFFFFF000  }
0x15: {  	v2 =	vld [tilespmem:s18+$0x0]  }
0x16: {  	s19 =	sor.u32 s16, s15;
	v3 =	vld [tilespmem:s18+$0x80]  }
0x17: {  	v4 =	vld [tilespmem:s19+$0x0]  }
0x18: {  	v5 =	vld [tilespmem:s18+$0x100]  }
0x19: {  	v6 =	vld [tilespmem:s19+$0x80]  }
0x1a: {  	v7 =	vld [tilespmem:s18+$0x180];
	v2 =	vmul.f32 $1.442695020e+00, v2  }
0x1b: {  	v8 =	vld [tilespmem:s19+$0x100];
	v3 =	vmul.f32 $1.442695020e+00, v3  }
0x1c: {  	v9 =	vld [tilespmem:s18+$0x200];
	v4 =	vmul.f32 $1.442695020e+00, v4;
	(erf) = vpow2.f32 v2  }
0x1d: {  	v2 =	vld [tilespmem:s19+$0x180];
	(erf) = vpow2.f32 v3  }
0x1e: {  	v5 =	vmul.f32 $1.442695020e+00, v5;
	(erf) = vpow2.f32 v4;
	v4 =	vld [tilespmem:s19+$0x200]  }
0x1f: {  	v7 =	vmul.f32 $1.442695020e+00, v7;
	v3 =	vmul.f32 $1.442695020e+00, v6;
	v6 =	vld [tilespmem:s18+$0x280]  }
0x20: {  	(erf) = vpow2.f32 v5;
	v5 =	vmul.f32 $1.442695020e+00, v8  }
0x21: {  	v10 =	vld [tilespmem:s19+$0x280];
	(erf) = vpow2.f32 v3;
	v3 =	vmul.f32 $1.442695020e+00, v9  }
0x22: {  	v8 =	vld [tilespmem:s18+$0x300];
	(erf) = vpow2.f32 v7;
	v2 =	vmul.f32 $1.442695020e+00, v2  }
0x23: {  	v7 =	vld [tilespmem:s18+$0x380];
	(erf) = vpow2.f32 v5;
	v4 =	vmul.f32 $1.442695020e+00, v4  }
0x24: {  	s20 =	sadd.s32 $0x800, s15;
	v5 =	vld [tilespmem:s19+$0x300];
	v6 =	vmul.f32 $1.442695020e+00, v6;
	(erf) = vpow2.f32 v3  }
0x25: {  	s30 =	sor.u32 s16, s20;
	v11 =	vld [tilespmem:s19+$0x380];
	(erf) = vpow2.f32 v2  }
0x26: {  	s21 =	sadd.s32 $0x880, s15;
	s28 =	sor.u32 s17, s20;
	v12 =	vld [tilespmem:s30+$0x0];
	v3 =	vpop (erf);
	(erf) = vpow2.f32 v6;
	v6 =	vmul.f32 $1.442695020e+00, v10  }
0x27: {  	s31 =	sadd.s32 $0x900, s15;
	s29 =	sor.u32 s17, s21;
	v9 =	vld [tilespmem:s28+$0x0];
	v8 =	vmul.f32 $1.442695020e+00, v8;
	(erf) = vpow2.f32 v4;
	v4 =	vpop (erf)  }
0x28: {  	s22 =	sor.u32 s17, s31;
	v10 =	vld [tilespmem:s29+$0x0];
	v7 =	vmul.f32 $1.442695020e+00, v7;
	v13 =	vadd.f32 v4, v3;
	v2 =	vpop (erf)  }
0x29: {  	s24 =	sadd.s32 $0x980, s15;
	s23 =	sor.u32 s16, s21;
	v14 =	vld [tilespmem:s22+$0x0];
	(erf) = vpow2.f32 v8;
	v8 =	vmul.f32 $1.442695020e+00, v5;
	v5 =	vpop (erf)  }
0x2a: {  	s25 =	sor.u32 s17, s24;
	v15 =	vld [tilespmem:s23+$0x0];
	(erf) = vpow2.f32 v6;
	v13 =	vadd.f32 v5, v13;
	v6 =	vpop (erf)  }
0x2b: {  	s26 =	sor.u32 s16, s31;
	s31 =	sadd.s32 $0xA80, s15;
	v16 =	vld [tilespmem:s25+$0x0];
	(erf) = vpow2.f32 v7;
	v30 =	vpop (erf)  }
0x2c: {  	v17 =	vld [tilespmem:s26+$0x0];
	s25 =	sor.u32 s16, s31;
	s28 =	sadd.s32 $0xA00, s15;
	v9 =	vmul.f32 $1.442695020e+00, v9;
	(erf) = vpow2.f32 v8;
	v8 =	vadd.f32 v30, v13  }
0x2d: {  	v20 =	vld [tilespmem:s25+$0x0];
	v11 =	vmul.f32 $1.442695020e+00, v11;
	s29 =	sor.u32 s17, s28;
	v10 =	vmul.f32 $1.442695020e+00, v10  }
0x2e: {  	s30 =	sor.u32 s16, s24;
	(erf) = vpow2.f32 v9;
	v9 =	vmul.f32 $1.442695020e+00, v12;
	v12 =	vld [tilespmem:s29+$0x0];
	v7 =	vpop (erf)  }
0x2f: {  	s19 =	sor.u32 s17, s31;
	(erf) = vpow2.f32 v11;
	v11 =	vld [tilespmem:s30+$0x0];
	v13 =	vmul.f32 $1.442695020e+00, v14;
	v35 =	vpop (erf)  }
0x30: {  	s22 =	sor.u32 s16, s28;
	v14 =	vadd.f32 v35, v8;
	v8 =	vpop (erf);
	(erf) = vpow2.f32 v10;
	v10 =	vmul.f32 $1.442695020e+00, v15;
	v15 =	vld [tilespmem:s19+$0x0]  }
0x31: {  	s23 =	sadd.s32 $0xB00, s15;
	v16 =	vmul.f32 $1.442695020e+00, v16;
	v18 =	vld [tilespmem:s22+$0x0];
	(erf) = vpow2.f32 v9;
	v37 =	vpop (erf)  }
0x32: {  	s24 =	sor.u32 s17, s23;
	v17 =	vmul.f32 $1.442695020e+00, v17;
	v14 =	vadd.f32 v37, v14;
	v9 =	vpop (erf);
	(erf) = vpow2.f32 v13  }
0x33: {  	v19 =	vld [tilespmem:s24+$0x0];
	s15 =	sadd.s32 $0xB80, s15;
	v12 =	vmul.f32 $1.442695020e+00, v12;
	v13 =	vadd.f32 v6, v2;
	(erf) = vpow2.f32 v10;
	v34 =	vpop (erf)  }
0x34: {  	s26 =	sor.u32 s17, s15;
	v14 =	vadd.f32 v34, v14;
	(erf) = vpow2.f32 v16;
	v16 =	vmul.f32 $1.442695020e+00, v11  }
0x35: {  	v21 =	vld [tilespmem:s26+$0x0];
	v10 =	vpop (erf);
	v13 =	vadd.f32 v7, v13;
	(erf) = vpow2.f32 v17;
	v15 =	vmul.f32 $1.442695020e+00, v15  }
0x36: {  	v32 =	vpop (erf);
	v17 =	vmul.f32 $1.442695020e+00, v18;
	v18 =	vmul.f32 $1.442695020e+00, v20  }
0x37: {  	v14 =	vadd.f32 v32, v14;
	v11 =	vpop (erf);
	(erf) = vpow2.f32 v12;
	v13 =	vadd.f32 v8, v13  }
0x38: {  	(erf) = vpow2.f32 v16;
	v38 =	vpop (erf);
	v16 =	vmul.f32 $1.442695020e+00, v19  }
0x39: {  	v14 =	vadd.f32 v38, v14;
	v12 =	vpop (erf);
	(erf) = vpow2.f32 v15;
	v15 =	vadd.f32 v9, v13  }
0x3a: {  	(erf) = vpow2.f32 v17;
	v39 =	vpop (erf);
	v17 =	vmul.f32 $1.442695020e+00, v21  }
0x3b: {  	v14 =	vadd.f32 v39, v14;
	v13 =	vpop (erf);
	(erf) = vpow2.f32 v16;
	v16 =	vadd.f32 v10, v15  }
0x3c: {  	(erf) = vpow2.f32 v18;
	v40 =	vpop (erf)  }
0x3d: {  	s28 =	sor.u32 s16, s23;
	v14 =	vadd.f32 v40, v14;
	v15 =	vpop (erf);
	(erf) = vpow2.f32 v17;
	v16 =	vadd.f32 v11, v16  }
0x3e: {  	v18 =	vld [tilespmem:s28+$0x0];
	v33 =	vpop (erf)  }
0x3f: {  	s15 =	sor.u32 s16, s15;
	v14 =	vadd.f32 v33, v14;
	v17 =	vpop (erf);
	v19 =	vadd.f32 v12, v16  }
0x40: {  	v20 =	vld [tilespmem:s15+$0x0];
	v36 =	vpop (erf)  }
0x41: {  	v14 =	vadd.f32 v36, v14;
	v16 =	vpop (erf)  }
0x42: {  	v21 =	vadd.f32 v13, v19;
	v41 =	vpop (erf)  }
0x43: {  	v18 =	vmul.f32 $1.442695020e+00, v18;
	v14 =	vadd.f32 v41, v14;
	v19 =	vpop (erf)  }
0x44: {  	v21 =	vadd.f32 v15, v21;
	v31 =	vpop (erf)  }
0x45: {  	v22 =	vmul.f32 $1.442695020e+00, v20;
	(erf) = vpow2.f32 v18;
	v14 =	vadd.f32 v31, v14;
	v20 =	vpop (erf)  }
0x46: {  	v18 =	vadd.f32 v17, v21;
	v42 =	vpop (erf)  }
0x47: {  	(erf) = vpow2.f32 v22;
	v14 =	vadd.f32 v42, v14  }
0x48: {  	v18 =	vadd.f32 v16, v18  }
0x49: {  	(erf) = vrcp.f32 v14  }
0x4a: {  	v18 =	vadd.f32 v19, v18;
	_ =	sdelay $0x1  }
0x4b: {  	v23 =	vld [tilespmem:$0x1380];
	v22 =	vadd.f32 v20, v18  }
0x4c: {  	v24 =	vld [tilespmem:$0x1580]  }
0x4d: {  	v26 =	vld [tilespmem:$0x1600];
	v27 =	vpop (erf)  }
0x4e: {  	v29 =	vld [tilespmem:$0x1100];
	v25 =	vadd.f32 v27, v22  }
0x4f: {  	v21 =	vld [tilespmem:$0x1180];
	v22 =	vpop (erf)  }
0x50: {  	v14 =	vld [tilespmem:$0x1780];
	v28 =	vadd.f32 v22, v25  }
0x51: {  	v18 =	vld [tilespmem:$0x1700];
	v43 =	vpop (erf)  }
0x52: {  	v25 =	vld [tilespmem:$0x1680];
	(erf) = vrcp.f32 v28;
	v44 =	vmul.f32 v43, v31  }
0x53: {  	v42 =	vmul.f32 v43, v42;
	v31 =	vld [tilespmem:$0x1000];
	v45 =	vmul.f32 v43, v30  }
0x54: {  	v46 =	vmul.f32 v43, v32;
	v32 =	vld [tilespmem:$0x1080];
	v47 =	vmul.f32 v43, v33  }
0x55: {  	v48 =	vmul.f32 v43, v36;
	v33 =	vld [tilespmem:$0x1200];
	v5 =	vmul.f32 v43, v5  }
0x56: {  	v41 =	vmul.f32 v43, v41;
	v30 =	vld [tilespmem:$0x1280];
	v3 =	vmul.f32 v43, v3  }
0x57: {  	v49 =	vmul.f32 v43, v34;
	v34 =	vld [tilespmem:$0x1400];
	v4 =	vmul.f32 v43, v4;
	v44 =	vadd.f32 v44, v18  }
0x58: {  	v36 =	vld [tilespmem:$0x1480];
	v50 =	vmul.f32 v43, v35;
	v42 =	vadd.f32 v42, v14;
	v45 =	vadd.f32 v45, v21  }
0x59: {  	v35 =	vld [tilespmem:$0x1500];
	v51 =	vmul.f32 v43, v37;
	v46 =	vadd.f32 v46, v23;
	v47 =	vadd.f32 v47, v24  }
0x5a: {  	v28 =	vld [tilespmem:$0x1300];
	v52 =	vmul.f32 v43, v38;
	v48 =	vadd.f32 v48, v26;
	v5 =	vadd.f32 v5, v29  }
0x5b: {  	v39 =	vmul.f32 v43, v39;
	v41 =	vadd.f32 v41, v25;
	v3 =	vadd.f32 v3, v31  }
0x5c: {  	v40 =	vmul.f32 v43, v40;
	v4 =	vadd.f32 v4, v32;
	v50 =	vadd.f32 v50, v33  }
0x5d: {  	v43 =	vadd.f32 v52, v34;
	v39 =	vadd.f32 v39, v36  }
0x5e: {  	v51 =	vadd.f32 v51, v30;
	v40 =	vadd.f32 v40, v35  }
0x5f: {  	v49 =	vadd.f32 v49, v28;
	v60 =	vmax.f32 v3, v4;
	v54 =	vmax.f32 v43, v39  }
0x60: {  	v53 =	vmax.f32 v50, v51;
	v37 =	vpop (erf);
	v52 =	vmax.f32 v60, v5;
	v54 =	vmax.f32 v54, v40  }
0x61: {  	v53 =	vmax.f32 v53, v49;
	v38 =	vmul.f32 v37, v2;
	v2 =	vmax.f32 v48, v41  }
0x62: {  	v54 =	vmax.f32 v54, v47;
	v6 =	vmul.f32 v37, v6;
	v9 =	vmul.f32 v37, v9  }
0x63: {  	v52 =	vmax.f32 v52, v45;
	v10 =	vmul.f32 v37, v10;
	v13 =	vmul.f32 v37, v13  }
0x64: {  	v53 =	vmax.f32 v53, v46;
	v8 =	vmul.f32 v37, v8;
	v22 =	vmul.f32 v37, v22  }
0x65: {  	v2 =	vmax.f32 v2, v44;
	vm5 =	vge.f32 v52, v54;
	vm6 =	vge.f32 v53, v54  }
0x66: {  	vm8 =	vge.f32 v52, v53;
	vm9 =	vgt.f32 v54, v53;
	vm10 =	vgt.f32 v53, v52  }
0x67: {  	vm11 =	vgt.f32 v54, v52;
	v2 =	vmax.f32 v2, v42;
	v61 =	vsel vm10, $0x3F800000, v0  }
0x68: {  	v62 =	vsel vm11, $0x3F800000, v0;
	v60 =	vsel vm5, $0x3F800000, v0;
	v57 =	vsel vm8, $0x3F800000, v0  }
0x69: {  	v58 =	vsel vm6, $0x3F800000, v0;
	v31 =	vadd.f32 v38, v31;
	v32 =	vadd.f32 v6, v32  }
0x6a: {  	v6 =	vmul.f32 v37, v7;
	v7 =	vmul.f32 v37, v15;
	v33 =	vadd.f32 v33, v9  }
0x6b: {  	v9 =	vmul.f32 v37, v11;
	v11 =	vmul.f32 v37, v17;
	v17 =	vadd.f32 v30, v10  }
0x6c: {  	v10 =	vmul.f32 v37, v12;
	v12 =	vmul.f32 v37, v20;
	v21 =	vadd.f32 v8, v21  }
0x6d: {  	vm0 =	vge.f32 v54, v2;
	vm1 =	vgt.f32 v2, v54;
	vm2 =	vge.f32 v52, v2  }
0x6e: {  	vm3 =	vge.f32 v53, v2;
	vm4 =	vgt.f32 v2, v53;
	vm7 =	vgt.f32 v2, v52  }
0x6f: {  	v52 =	vadd.f32 v62, v61;
	v61 =	vsel vm9, $0x3F800000, v0;
	v53 =	vadd.f32 v58, v60  }
0x70: {  	v2 =	vsel vm0, $0x3F800000, v0;
	v63 =	vsel vm2, $0x3F800000, v0;
	v55 =	vsel vm3, $0x3F800000, v0  }
0x71: {  	v56 =	vsel vm7, $0x3F800000, v0;
	v62 =	vadd.f32 v61, v57;
	v29 =	vadd.f32 v6, v29  }
0x72: {  	v6 =	vmul.f32 v37, v19;
	v19 =	vadd.f32 v28, v9;
	v11 =	vadd.f32 v35, v11  }
0x73: {  	v59 =	vsel vm4, $0x3F800000, v0;
	v23 =	vadd.f32 v23, v10;
	v8 =	vadd.f32 v25, v12  }
0x74: {  	v52 =	vadd.f32 v52, v56;
	v54 =	vadd.f32 v55, v63;
	v63 =	vsel vm1, $0x3F800000, v0  }
0x75: {  	v15 =	vmax.f32 v31, v32;
	v53 =	vadd.f32 v53, v63;
	v9 =	vadd.f32 v26, v6  }
0x76: {  	v6 =	vmax.f32 v15, v29;
	vm0 =	vge.f32 v52, $2.000000000e+00;
	v2 =	vadd.f32 v54, v2  }
0x77: {  	v52 =	vadd.f32 v62, v59;
	v54 =	vsel vm0, $0xF149F2CA, v0;
	vm1 =	vge.f32 v53, $2.000000000e+00  }
0x78: {  	vm0 =	vge.f32 v2, $2.000000000e+00;
	v3 =	vadd.f32 v54, v3;
	v4 =	vadd.f32 v54, v4  }
0x79: {  	vm3 =	vge.f32 v52, $2.000000000e+00;
	v53 =	vsel vm1, $0xF149F2CA, v0;
	v5 =	vadd.f32 v54, v5  }
0x7a: {  	v60 =	vsel vm0, $0xF149F2CA, v0;
	v62 =	vsel vm3, $0xF149F2CA, v0;
	v47 =	vadd.f32 v53, v47  }
0x7b: {  	v39 =	vadd.f32 v53, v39;
	vm1 =	vgt.f32 v4, v3;
	vm0 =	vgt.f32 v4, $-3.000000010e+38  }
0x7c: {  	v40 =	vadd.f32 v53, v40;
	vm2 =	vmneg vm1;
	v61 =	vnsel vm0, $0xFF61B1E6, v4  }
0x7d: {  	v43 =	vadd.f32 v53, v43;
	v2 =	vadd.f32 v60, v42;
	v63 =	vsel vm2, v61, v3  }
0x7e: {  	v44 =	vadd.f32 v60, v44;
	v3 =	vsel vm2, v3, v4;
	vm5 =	vgt.f32 v5, v63  }
0x7f: {  	v4 =	vadd.f32 v54, v45;
	vm3 =	vgt.f32 v5, v3;
	v42 =	vsel vm5, v5, v63  }
0x80: {  	v41 =	vadd.f32 v60, v41;
	v55 =	vadd.f32 v62, v49;
	v42 =	vsel vm3, v3, v42  }
0x81: {  	v46 =	vadd.f32 v62, v46;
	v3 =	vsel vm3, v5, v3;
	vm6 =	vgt.f32 v4, v42  }
0x82: {  	v5 =	vadd.f32 v62, v50;
	vm4 =	vgt.f32 v4, v3;
	v42 =	vsel vm6, v4, v42  }
0x83: {  	v56 =	vsel vm1, $0x1, v1;
	v54 =	vadd.f32 v60, v48;
	v42 =	vsel vm4, v3, v42  }
0x84: {  	vm0 =	vmand vm2, vm0;
	v3 =	vsel vm4, v4, v3;
	vm7 =	vgt.f32 v5, v42  }
0x85: {  	v4 =	vadd.f32 v62, v51;
	vm8 =	vgt.f32 v5, v3;
	v42 =	vsel vm7, v5, v42  }
0x86: {  	v57 =	vsel vm0, $0x1, v1;
	v58 =	vsel vm3, $0x2, v56;
	v42 =	vsel vm8, v3, v42  }
0x87: {  	v59 =	vsel vm4, $0x3, v58;
	v3 =	vsel vm8, v5, v3;
	vm1 =	vgt.f32 v4, v42  }
0x88: {  	v60 =	vsel vm8, $0x4, v59;
	vm2 =	vgt.f32 v4, v3;
	v5 =	vsel vm1, v4, v42  }
0x89: {  	v42 =	vsel vm5, $0x2, v57;
	v61 =	vsel vm2, $0x5, v60;
	v5 =	vsel vm2, v3, v5  }
0x8a: {  	v3 =	vsel vm2, v4, v3;
	v4 =	vsel vm3, v56, v42;
	vm0 =	vgt.f32 v55, v5  }
0x8b: {  	vm3 =	vgt.f32 v55, v3;
	v4 =	vsel vm6, $0x3, v4;
	v5 =	vsel vm0, v55, v5  }
0x8c: {  	v4 =	vsel vm4, v58, v4;
	v62 =	vsel vm3, $0x6, v61;
	v5 =	vsel vm3, v3, v5  }
0x8d: {  	v3 =	vsel vm3, v55, v3;
	v4 =	vsel vm7, $0x4, v4;
	v55 =	vadd.f32 v36, v7  }
0x8e: {  	v7 =	vmul.f32 v37, v16;
	v16 =	vmax.f32 v33, v17;
	vm5 =	vgt.f32 v46, v5  }
0x8f: {  	vm4 =	vgt.f32 v46, v3;
	v4 =	vsel vm8, v59, v4;
	v12 =	vmax.f32 v16, v19  }
0x90: {  	v16 =	vmax.f32 v6, v21;
	v6 =	vadd.f32 v14, v22;
	v5 =	vsel vm5, v46, v5  }
0x91: {  	v4 =	vsel vm1, $0x5, v4;
	v63 =	vsel vm4, $0x7, v62;
	v10 =	vadd.f32 v24, v7  }
0x92: {  	v15 =	vmax.f32 v12, v23;
	v5 =	vsel vm4, v3, v5;
	v4 =	vsel vm2, v60, v4  }
0x93: {  	v3 =	vsel vm4, v46, v3;
	vm6 =	vgt.f32 v43, v5;
	v4 =	vsel vm0, $0x6, v4  }
0x94: {  	vm7 =	vgt.f32 v43, v3;
	v5 =	vsel vm6, v43, v5;
	v4 =	vsel vm3, v61, v4  }
0x95: {  	v48 =	vsel vm7, $0x8, v63;
	v5 =	vsel vm7, v3, v5;
	v4 =	vsel vm5, $0x7, v4  }
0x96: {  	v3 =	vsel vm7, v43, v3;
	vm1 =	vgt.f32 v39, v5;
	v4 =	vsel vm4, v62, v4  }
0x97: {  	vm0 =	vgt.f32 v39, v3;
	v5 =	vsel vm1, v39, v5;
	v4 =	vsel vm6, $0x8, v4  }
0x98: {  	v49 =	vsel vm0, $0x9, v48;
	v5 =	vsel vm0, v3, v5;
	v4 =	vsel vm7, v63, v4  }
0x99: {  	v3 =	vsel vm0, v39, v3;
	vm2 =	vgt.f32 v40, v5;
	v4 =	vsel vm1, $0x9, v4  }
0x9a: {  	vm3 =	vgt.f32 v40, v3;
	v5 =	vsel vm2, v40, v5;
	v4 =	vsel vm0, v48, v4  }
0x9b: {  	v50 =	vsel vm3, $0xA, v49;
	v5 =	vsel vm3, v3, v5;
	v4 =	vsel vm2, $0xA, v4  }
0x9c: {  	v3 =	vsel vm3, v40, v3;
	vm4 =	vgt.f32 v47, v5;
	v4 =	vsel vm3, v49, v4  }
0x9d: {  	vm1 =	vgt.f32 v47, v3;
	v5 =	vsel vm4, v47, v5;
	v4 =	vsel vm4, $0xB, v4  }
0x9e: {  	v51 =	vsel vm1, $0xB, v50;
	v5 =	vsel vm1, v3, v5;
	v3 =	vsel vm1, v47, v3  }
0x9f: {  	v4 =	vsel vm1, v50, v4;
	vm0 =	vgt.f32 v54, v5;
	vm2 =	vgt.f32 v54, v3  }
0xa0: {  	v5 =	vsel vm0, v54, v5;
	v4 =	vsel vm0, $0xC, v4;
	v39 =	vsel vm2, $0xC, v51  }
0xa1: {  	v5 =	vsel vm2, v3, v5;
	v3 =	vsel vm2, v54, v3;
	v4 =	vsel vm2, v51, v4  }
0xa2: {  	v54 =	vadd.f32 v34, v13;
	v13 =	vmul.f32 v37, v27;
	vm1 =	vgt.f32 v41, v5  }
0xa3: {  	vm0 =	vgt.f32 v41, v3;
	v5 =	vsel vm1, v41, v5;
	v4 =	vsel vm1, $0xD, v4  }
0xa4: {  	v20 =	vmax.f32 v54, v55;
	v7 =	vadd.f32 v18, v13;
	v13 =	vmax.f32 v9, v8  }
0xa5: {  	v5 =	vsel vm0, v3, v5;
	v3 =	vsel vm0, v41, v3;
	v4 =	vsel vm0, v39, v4  }
0xa6: {  	v39 =	vsel vm0, $0xD, v39;
	v20 =	vmax.f32 v20, v11;
	vm1 =	vgt.f32 v44, v5  }
0xa7: {  	vm2 =	vgt.f32 v44, v3;
	v12 =	vmax.f32 v20, v10;
	v13 =	vmax.f32 v13, v7  }
0xa8: {  	v5 =	vsel vm1, v44, v5;
	v4 =	vsel vm1, $0xE, v4;
	vm3 =	vgt.f32 v12, v16  }
0xa9: {  	v13 =	vmax.f32 v13, v6;
	vm4 =	vge.f32 v15, v12;
	v5 =	vsel vm2, v3, v5  }
0xaa: {  	v52 =	vsel vm2, v39, v4;
	v4 =	vsel vm2, v44, v3;
	v3 =	vsel vm2, $0xE, v39  }
0xab: {  	vm2 =	vgt.f32 v15, v16;
	v18 =	vsel vm3, $0x3F800000, v0;
	vm3 =	vge.f32 v16, v15  }
0xac: {  	vm1 =	vgt.f32 v2, v5;
	vm0 =	vgt.f32 v2, v4;
	v14 =	vsel vm2, $0x3F800000, v0  }
0xad: {  	vm2 =	vgt.f32 v13, v16;
	v20 =	vsel vm3, $0x3F800000, v0;
	v14 =	vadd.f32 v18, v14  }
0xae: {  	vm3 =	vgt.f32 v13, v15;
	v18 =	vsel vm2, $0x3F800000, v0;
	vm2 =	vgt.f32 v12, v15  }
0xaf: {  	v53 =	vsel vm1, $0xF, v52;
	v14 =	vadd.f32 v18, v14;
	v18 =	vsel vm2, $0x3F800000, v0  }
0xb0: {  	v39 =	vsel vm0, v3, v53;
	vm2 =	vge.f32 v16, v12;
	v18 =	vadd.f32 v18, v20  }
0xb1: {  	v20 =	vsel vm3, $0x3F800000, v0;
	vm3 =	vge.f32 v14, $2.000000000e+00;
	v14 =	vsel vm2, $0x3F800000, v0  }
0xb2: {  	vm2 =	vgt.f32 v13, v12;
	v22 =	vsel vm3, $0xF149F2CA, v0;
	v18 =	vadd.f32 v20, v18  }
0xb3: {  	v20 =	vsel vm4, $0x3F800000, v0;
	v56 =	vadd.f32 v22, v31;
	v57 =	vadd.f32 v22, v32  }
0xb4: {  	v21 =	vadd.f32 v22, v21;
	vm3 =	vge.f32 v18, $2.000000000e+00;
	v18 =	vadd.f32 v22, v29  }
0xb5: {  	v22 =	vsel vm3, $0xF149F2CA, v0;
	vm3 =	vgt.f32 v57, v56;
	vm4 =	vgt.f32 v57, $-3.000000010e+38  }
0xb6: {  	v14 =	vadd.f32 v20, v14;
	vm5 =	vmneg vm3;
	v59 =	vnsel vm4, $0xFF61B1E6, v57  }
0xb7: {  	v58 =	vadd.f32 v22, v33;
	v60 =	vadd.f32 v22, v17;
	v17 =	vsel vm5, v59, v56  }
0xb8: {  	v61 =	vadd.f32 v22, v19;
	v24 =	vsel vm5, v56, v57;
	vm7 =	vgt.f32 v18, v17  }
0xb9: {  	v19 =	vsel vm2, $0x3F800000, v0;
	vm6 =	vgt.f32 v18, v24;
	v17 =	vsel vm7, v18, v17  }
0xba: {  	v23 =	vadd.f32 v22, v23;
	v62 =	vsel vm3, $0x1, v1;
	v17 =	vsel vm6, v24, v17  }
0xbb: {  	vm4 =	vmand vm5, vm4;
	v18 =	vsel vm6, v18, v24;
	vm5 =	vgt.f32 v21, v17  }
0xbc: {  	v14 =	vadd.f32 v19, v14;
	vm8 =	vgt.f32 v21, v18;
	v17 =	vsel vm5, v21, v17  }
0xbd: {  	v19 =	vsel vm4, $0x1, v1;
	v20 =	vsel vm8, v21, v18;
	v17 =	vsel vm8, v18, v17  }
0xbe: {  	vm2 =	vgt.f32 v58, v20;
	v21 =	vsel vm7, $0x2, v19;
	vm9 =	vgt.f32 v58, v17  }
0xbf: {  	vm7 =	vge.f32 v14, $2.000000000e+00;
	v18 =	vsel vm2, v58, v20;
	v17 =	vsel vm9, v58, v17  }
0xc0: {  	v14 =	vsel vm6, v62, v21;
	v21 =	vsel vm6, $0x2, v62;
	v20 =	vsel vm2, v20, v17  }
0xc1: {  	vm4 =	vgt.f32 v60, v18;
	v14 =	vsel vm5, $0x3, v14;
	vm10 =	vgt.f32 v60, v20  }
0xc2: {  	v22 =	vsel vm4, v60, v18;
	v14 =	vsel vm8, v21, v14;
	v20 =	vsel vm10, v60, v20  }
0xc3: {  	v21 =	vsel vm8, $0x3, v21;
	vm3 =	vgt.f32 v61, v22;
	v20 =	vsel vm4, v18, v20  }
0xc4: {  	v17 =	vsel vm7, $0xF149F2CA, v0;
	v19 =	vsel vm3, v61, v22;
	vm7 =	vgt.f32 v61, v20  }
0xc5: {  	s29 =	simm.s32 $0x0;
	vm5 =	vgt.f32 v23, v19;
	v18 =	vadd.f32 v17, v54;
	v63 =	vsel vm7, v61, v20  }
0xc6: {  	s30 =	sand.u32 $0xFFFFFF00, s29;
	v14 =	vsel vm9, $0x4, v14;
	v20 =	vsel vm5, v23, v19;
	v24 =	vsel vm3, v22, v63  }
0xc7: {  	s31 =	sor.u32 s30, s2;
	s17 =	sor.u32 s30, s17;
	s20 =	sor.u32 s16, s30;
	v22 =	vsel vm2, v21, v14;
	vm6 =	vgt.f32 v18, v20;
	vm8 =	vgt.f32 v23, v24  }
0xc8: {  	s16 =	simm.s32 $0x0;
	s21 =	sor.u32 $0x80, s31;
	s15 =	simm.s32 $0x0;
	[tilespmem:s17+$0x1A80] =	vst v39;
	v14 =	vadd.f32 v17, v55;
	v22 =	vsel vm10, $0x5, v22;
	v23 =	vsel vm8, v23, v24  }
.LBB2_2:
0xc9: {  	s15 =	sadd.s32 $0x2, s15;
	vm10 =	vge.f32 v16, v13;
	v16 =	vsel vm2, $0x4, v21;
	v19 =	vsel vm5, v19, v23;
	s16 =	sadd.s32 $0x20, s16  }
0xca: {  	vm2 =	vge.f32 v15, v13;
	v15 =	vsel vm6, v18, v20;
	s18 =	sand.u32 $0x60, s16;
	s19 =	sshll.u32 s15, $0x7;
	p0 =	slt.u32 s15, $0xE;
	vm9 =	vgt.f32 v18, v19  }
0xcb: {  	v21 =	vsel vm10, $0x3F800000, v0;
	v22 =	vsel vm4, v16, v22;
	s22 =	sand.u32 $0x3FFFFC00, s19;
	s19 =	sor.u32 $0x10, s18;
	v18 =	vsel vm9, v18, v19  }
0xcc: {  	v19 =	vsel vm2, $0x3F800000, v0;
	vm2 =	vgt.f32 v14, v15;
	s23 =	sor.u32 s18, s22;
	s24 =	sor.u32 s19, s22;
	v18 =	vsel vm6, v20, v18  }
0xcd: {  	v16 =	vsel vm4, $0x5, v16;
	v22 =	vsel vm7, $0x6, v22;
	v20 =	vld [tilespmem:s24+$0x0];
	vm7 =	vgt.f32 v14, v18  }
0xce: {  	v11 =	vadd.f32 v17, v11;
	v19 =	vadd.f32 v19, v21;
	v23 =	vld [tilespmem:s24+$0x80];
	v18 =	vsel vm7, v14, v18  }
0xcf: {  	vm4 =	vge.f32 v12, v13;
	v12 =	vsel vm3, v16, v22;
	v21 =	vld [tilespmem:s23+$0x0];
	v13 =	vsel vm2, v15, v18  }
0xd0: {  	v22 =	vsel vm4, $0x3F800000, v0;
	v12 =	vsel vm8, $0x7, v12;
	v18 =	vld [tilespmem:s24+$0x100];
	vm4 =	vgt.f32 v11, v13  }
0xd1: {  	v16 =	vsel vm3, $0x6, v16;
	v19 =	vadd.f32 v19, v22;
	v14 =	vsel vm2, v14, v15;
	v24 =	vld [tilespmem:s23+$0x80]  }
0xd2: {  	v12 =	vsel vm5, v16, v12;
	v13 =	vsel vm4, v11, v13;
	v15 =	vld [tilespmem:s24+$0x180];
	v22 =	vmul.f32 $1.442695020e+00, v20  }
0xd3: {  	vm3 =	vgt.f32 v11, v14;
	v20 =	vadd.f32 v17, v10;
	v25 =	vld [tilespmem:s23+$0x100];
	v23 =	vmul.f32 $1.442695020e+00, v23  }
0xd4: {  	v13 =	vsel vm3, v14, v13;
	v10 =	vmul.f32 $1.442695020e+00, v21;
	v17 =	vld [tilespmem:s24+$0x200];
	(erf) = vpow2.f32 v22  }
0xd5: {  	v12 =	vsel vm9, $0x8, v12;
	v21 =	vld [tilespmem:s23+$0x180];
	v18 =	vmul.f32 $1.442695020e+00, v18;
	(erf) = vpow2.f32 v23  }
0xd6: {  	v22 =	vmul.f32 $1.442695020e+00, v24;
	v23 =	vld [tilespmem:s24+$0x280];
	(erf) = vpow2.f32 v10;
	v10 =	vsel vm5, $0x7, v16  }
0xd7: {  	vm8 =	vge.f32 v19, $2.000000000e+00;
	v16 =	vld [tilespmem:s23+$0x200];
	v15 =	vmul.f32 $1.442695020e+00, v15;
	(erf) = vpow2.f32 v18  }
0xd8: {  	vm5 =	vgt.f32 v20, v13;
	v18 =	vmul.f32 $1.442695020e+00, v25;
	v24 =	vld [tilespmem:s24+$0x300];
	(erf) = vpow2.f32 v22  }
0xd9: {  	v12 =	vsel vm6, v10, v12;
	v26 =	vld [tilespmem:s23+$0x280];
	v17 =	vmul.f32 $1.442695020e+00, v17;
	(erf) = vpow2.f32 v15  }
0xda: {  	s25 =	sadd.s32 $0x800, s22;
	v15 =	vmul.f32 $1.442695020e+00, v21;
	v27 =	vld [tilespmem:s24+$0x380];
	(erf) = vpow2.f32 v18;
	v21 =	vsel vm3, v11, v14  }
0xdb: {  	v25 =	vsel vm8, $0xF149F2CA, v0;
	s24 =	sor.u32 s18, s25;
	s25 =	sor.u32 s19, s25;
	v11 =	vld [tilespmem:s23+$0x300];
	v14 =	vmul.f32 $1.442695020e+00, v23;
	(erf) = vpow2.f32 v17  }
0xdc: {  	s26 =	sadd.s32 $0x880, s22;
	v19 =	vsel vm5, v20, v13;
	v16 =	vmul.f32 $1.442695020e+00, v16;
	v17 =	vld [tilespmem:s25+$0x0];
	(erf) = vpow2.f32 v15  }
0xdd: {  	v22 =	vsel vm7, $0x9, v12;
	s25 =	sor.u32 s19, s26;
	v13 =	vld [tilespmem:s23+$0x380];
	s23 =	sor.u32 s18, s26;
	v15 =	vmul.f32 $1.442695020e+00, v24;
	v35 =	vpop (erf);
	(erf) = vpow2.f32 v14  }
0xde: {  	vm7 =	vgt.f32 v20, v21;
	s26 =	sadd.s32 $0x900, s22;
	v12 =	vmul.f32 $1.442695020e+00, v26;
	v14 =	vld [tilespmem:s25+$0x0];
	(erf) = vpow2.f32 v16;
	v36 =	vpop (erf)  }
0xdf: {  	s25 =	sor.u32 s19, s26;
	v16 =	vld [tilespmem:s24+$0x0];
	s24 =	sor.u32 s18, s26;
	v18 =	vmul.f32 $1.442695020e+00, v27;
	v24 =	vadd.f32 v36, v35;
	v38 =	vpop (erf);
	(erf) = vpow2.f32 v15  }
0xe0: {  	v23 =	vsel vm6, $0x8, v10;
	s26 =	sadd.s32 $0x980, s22;
	v28 =	vmul.f32 $1.442695020e+00, v11;
	v15 =	vld [tilespmem:s25+$0x0];
	(erf) = vpow2.f32 v12;
	v34 =	vpop (erf)  }
0xe1: {  	s25 =	sor.u32 s19, s26;
	v26 =	vld [tilespmem:s23+$0x0];
	s23 =	sor.u32 s18, s26;
	v12 =	vmul.f32 $1.442695020e+00, v17;
	v17 =	vadd.f32 v34, v24;
	v10 =	vpop (erf);
	(erf) = vpow2.f32 v18  }
0xe2: {  	s26 =	sadd.s32 $0xA00, s22;
	v13 =	vmul.f32 $1.442695020e+00, v13;
	v18 =	vadd.f32 v10, v38;
	v24 =	vld [tilespmem:s25+$0x0];
	(erf) = vpow2.f32 v28;
	v30 =	vpop (erf)  }
0xe3: {  	s25 =	sor.u32 s19, s26;
	v27 =	vld [tilespmem:s24+$0x0];
	s24 =	sor.u32 s18, s26;
	v14 =	vmul.f32 $1.442695020e+00, v14;
	v17 =	vadd.f32 v30, v17;
	v11 =	vpop (erf);
	(erf) = vpow2.f32 v12  }
0xe4: {  	s26 =	sadd.s32 $0xA80, s22;
	v16 =	vmul.f32 $1.442695020e+00, v16;
	v18 =	vadd.f32 v11, v18;
	v28 =	vld [tilespmem:s25+$0x0];
	(erf) = vpow2.f32 v13;
	v39 =	vpop (erf)  }
0xe5: {  	s25 =	sor.u32 s19, s26;
	v29 =	vld [tilespmem:s23+$0x0];
	s23 =	sor.u32 s18, s26;
	v15 =	vmul.f32 $1.442695020e+00, v15;
	v31 =	vadd.f32 v39, v17;
	v12 =	vpop (erf);
	(erf) = vpow2.f32 v14  }
0xe6: {  	s26 =	sadd.s32 $0xB00, s22;
	v32 =	vmul.f32 $1.442695020e+00, v26;
	v17 =	vadd.f32 v12, v18;
	v18 =	vld [tilespmem:s25+$0x0];
	(erf) = vpow2.f32 v16;
	v40 =	vpop (erf)  }
0xe7: {  	s25 =	sor.u32 s19, s26;
	v16 =	vld [tilespmem:s24+$0x0];
	s24 =	sor.u32 s18, s26;
	v24 =	vmul.f32 $1.442695020e+00, v24;
	v26 =	vadd.f32 v40, v31;
	v13 =	vpop (erf);
	(erf) = vpow2.f32 v15  }
0xe8: {  	s22 =	sadd.s32 $0xB80, s22;
	v41 =	vmul.f32 $1.442695020e+00, v27;
	v17 =	vadd.f32 v13, v17;
	v27 =	vld [tilespmem:s25+$0x0];
	(erf) = vpow2.f32 v32;
	v37 =	vpop (erf)  }
0xe9: {  	v31 =	vld [tilespmem:s23+$0x0];
	s23 =	sor.u32 s18, s22;
	s22 =	sor.u32 s19, s22;
	v28 =	vmul.f32 $1.442695020e+00, v28;
	v26 =	vadd.f32 v37, v26;
	v14 =	vpop (erf);
	(erf) = vpow2.f32 v24  }
0xea: {  	v24 =	vmul.f32 $1.442695020e+00, v29;
	v17 =	vadd.f32 v14, v17;
	v29 =	vld [tilespmem:s22+$0x0];
	(erf) = vpow2.f32 v41;
	v32 =	vpop (erf)  }
0xeb: {  	v33 =	vld [tilespmem:s24+$0x0];
	v18 =	vmul.f32 $1.442695020e+00, v18;
	v26 =	vadd.f32 v32, v26;
	v15 =	vpop (erf);
	(erf) = vpow2.f32 v28  }
0xec: {  	v28 =	vld [tilespmem:s23+$0x0];
	v43 =	vmul.f32 $1.442695020e+00, v16;
	v44 =	vadd.f32 v15, v17;
	(erf) = vpow2.f32 v24;
	v41 =	vpop (erf)  }
0xed: {  	v24 =	vmul.f32 $1.442695020e+00, v27;
	v26 =	vadd.f32 v41, v26;
	v16 =	vpop (erf);
	(erf) = vpow2.f32 v18  }
0xee: {  	v31 =	vmul.f32 $1.442695020e+00, v31;
	v27 =	vadd.f32 v16, v44;
	(erf) = vpow2.f32 v43;
	v42 =	vpop (erf)  }
0xef: {  	v29 =	vmul.f32 $1.442695020e+00, v29;
	v26 =	vadd.f32 v42, v26;
	v17 =	vpop (erf);
	(erf) = vpow2.f32 v24  }
0xf0: {  	v24 =	vmul.f32 $1.442695020e+00, v33;
	v27 =	vadd.f32 v17, v27;
	(erf) = vpow2.f32 v31;
	v43 =	vpop (erf)  }
0xf1: {  	v28 =	vmul.f32 $1.442695020e+00, v28;
	v26 =	vadd.f32 v43, v26;
	v18 =	vpop (erf);
	(erf) = vpow2.f32 v29  }
0xf2: {  	v27 =	vadd.f32 v18, v27;
	(erf) = vpow2.f32 v24;
	v33 =	vpop (erf);
	v24 =	vadd.f32 v25, v9  }
0xf3: {  	v26 =	vadd.f32 v33, v26;
	v9 =	vpop (erf);
	(erf) = vpow2.f32 v28;
	v28 =	vsel vm7, v21, v19  }
0xf4: {  	v22 =	vsel vm2, v23, v22;
	v27 =	vadd.f32 v9, v27;
	v44 =	vpop (erf);
	vm6 =	vgt.f32 v24, v28  }
0xf5: {  	v22 =	vsel vm4, $0xA, v22;
	v21 =	vsel vm7, v20, v21;
	v26 =	vadd.f32 v44, v26;
	v19 =	vpop (erf)  }
0xf6: {  	v23 =	vsel vm2, $0x9, v23;
	v28 =	vsel vm6, v24, v28;
	v27 =	vadd.f32 v19, v27;
	v45 =	vpop (erf)  }
0xf7: {  	v22 =	vsel vm3, v23, v22;
	vm2 =	vgt.f32 v24, v21;
	v26 =	vadd.f32 v45, v26;
	v20 =	vpop (erf)  }
0xf8: {  	v29 =	vadd.f32 v25, v8;
	v28 =	vsel vm2, v21, v28;
	v27 =	vadd.f32 v20, v27;
	v31 =	vpop (erf)  }
0xf9: {  	v46 =	vsel vm3, $0xA, v23;
	v22 =	vsel vm5, $0xB, v22;
	v26 =	vadd.f32 v31, v26;
	v8 =	vpop (erf)  }
0xfa: {  	v48 =	vsel vm7, v46, v22;
	vm3 =	vgt.f32 v29, v28;
	v27 =	vadd.f32 v8, v27;
	v47 =	vpop (erf)  }
0xfb: {  	v24 =	vsel vm2, v24, v21;
	v21 =	vsel vm3, v29, v28;
	v26 =	vadd.f32 v47, v26;
	v23 =	vpop (erf)  }
0xfc: {  	vm4 =	vgt.f32 v29, v24;
	v28 =	vsel vm6, $0xC, v48;
	v27 =	vadd.f32 v23, v27;
	v22 =	vpop (erf)  }
0xfd: {  	v46 =	vsel vm7, $0xB, v46;
	(erf) = vrcp.f32 v26;
	v26 =	vadd.f32 v25, v7  }
0xfe: {  	v7 =	vsel vm2, v46, v28;
	v28 =	vsel vm4, v24, v21;
	v27 =	vadd.f32 v22, v27  }
0xff: {  	v29 =	vsel vm4, v29, v24;
	v48 =	vsel vm3, $0xD, v7;
	v21 =	vld [tilespmem:$0x1780];
	vm3 =	vgt.f32 v26, v28  }
0x100: {  	v7 =	vld [tilespmem:$0x1700];
	(erf) = vrcp.f32 v27;
	v27 =	vsel vm2, $0xC, v46;
	v28 =	vsel vm3, v26, v28  }
0x101: {  	v46 =	vadd.f32 v25, v6;
	vm2 =	vgt.f32 v26, v29;
	v24 =	vld [tilespmem:$0x1180];
	v25 =	vsel vm4, v27, v48  }
0x102: {  	v48 =	vsel vm4, $0xD, v27;
	v27 =	vsel vm2, v29, v28;
	v6 =	vld [tilespmem:$0x1380];
	v28 =	vsel vm3, $0xE, v25  }
0x103: {  	v29 =	vsel vm2, v26, v29;
	vm3 =	vgt.f32 v46, v27;
	v25 =	vld [tilespmem:$0x1580];
	v28 =	vsel vm2, v48, v28  }
0x104: {  	v5 =	vsel vm1, v2, v5;
	v49 =	vsel vm3, v46, v27;
	v26 =	vld [tilespmem:$0x1600];
	v50 =	vsel vm3, $0xF, v28  }
0x105: {  	v5 =	vsel vm0, v4, v5;
	vm1 =	vgt.f32 v46, v29;
	v48 =	vsel vm2, $0xE, v48;
	v27 =	vld [tilespmem:$0x1680]  }
0x106: {  	v46 =	vsel vm1, v46, v29;
	v49 =	vsel vm1, v29, v49;
	v50 =	vsel vm1, v48, v50;
	v28 =	vld [tilespmem:$0x1100];
	v51 =	vpop (erf);
	[tilespmem:s17+$0x1880] =	vst v5  }
0x107: {  	v48 =	vsel vm1, $0xF, v48;
	v29 =	vld [tilespmem:$0x1300];
	v5 =	vmul.f32 v51, v31;
	v47 =	vmul.f32 v51, v47;
	[tilespmem:s20+$0x1800] =	vst v46  }
0x108: {  	v2 =	vsel vm0, v2, v4;
	v46 =	vmul.f32 v51, v30;
	v52 =	vmul.f32 v51, v32;
	v31 =	vld [tilespmem:$0x1000];
	[tilespmem:s21+$0x1800] =	vst v49  }
0x109: {  	v3 =	vsel vm0, $0xF, v3;
	v44 =	vmul.f32 v51, v44;
	v49 =	vmul.f32 v51, v33;
	v32 =	vld [tilespmem:$0x1080];
	v30 =	vpop (erf);
	[tilespmem:s20+$0x1A00] =	vst v48  }
0x10a: {  	v45 =	vmul.f32 v51, v45;
	v48 =	vmul.f32 v51, v34;
	v33 =	vld [tilespmem:$0x1200];
	[tilespmem:s21+$0x1A00] =	vst v50  }
0x10b: {  	v53 =	vmul.f32 v51, v37;
	v50 =	vmul.f32 v51, v35;
	v34 =	vld [tilespmem:$0x1280];
	[tilespmem:s17+$0x1800] =	vst v2  }
0x10c: {  	v5 =	vadd.f32 v5, v7;
	v47 =	vadd.f32 v47, v21;
	v2 =	vmul.f32 v51, v36;
	v35 =	vld [tilespmem:$0x1400];
	[tilespmem:s17+$0x1A00] =	vst v3  }
0x10d: {  	v46 =	vadd.f32 v46, v24;
	v4 =	vadd.f32 v52, v6;
	v3 =	vmul.f32 v51, v39;
	v37 =	vld [tilespmem:$0x1480]  }
0x10e: {  	v44 =	vadd.f32 v44, v26;
	v39 =	vmul.f32 v51, v40;
	v40 =	vadd.f32 v49, v25;
	v36 =	vld [tilespmem:$0x1500]  }
0x10f: {  	v41 =	vmul.f32 v51, v41;
	v45 =	vadd.f32 v45, v27;
	v48 =	vadd.f32 v48, v28  }
0x110: {  	v42 =	vmul.f32 v51, v42;
	v49 =	vadd.f32 v50, v31;
	v2 =	vadd.f32 v2, v32  }
0x111: {  	v50 =	vadd.f32 v3, v33;
	v3 =	vmul.f32 v51, v43;
	v39 =	vadd.f32 v39, v34  }
0x112: {  	v38 =	vmul.f32 v30, v38;
	v41 =	vadd.f32 v41, v35;
	v42 =	vadd.f32 v42, v37  }
0x113: {  	v43 =	vadd.f32 v53, v29;
	v51 =	vadd.f32 v3, v36;
	v3 =	vmax.f32 v44, v45  }
0x114: {  	v52 =	vmax.f32 v49, v2;
	v53 =	vmax.f32 v50, v39;
	v54 =	vmax.f32 v41, v42  }
0x115: {  	v52 =	vmax.f32 v52, v48;
	v3 =	vmax.f32 v3, v5;
	v54 =	vmax.f32 v54, v51  }
0x116: {  	v53 =	vmax.f32 v53, v43;
	v3 =	vmax.f32 v3, v47;
	v54 =	vmax.f32 v54, v40  }
0x117: {  	v52 =	vmax.f32 v52, v46;
	v53 =	vmax.f32 v53, v4;
	vm2 =	vge.f32 v54, v3  }
0x118: {  	vm3 =	vge.f32 v52, v3;
	vm4 =	vge.f32 v53, v3;
	vm0 =	vgt.f32 v3, v54  }
0x119: {  	vm1 =	vgt.f32 v3, v53;
	vm5 =	vge.f32 v52, v54;
	vm6 =	vge.f32 v53, v54  }
0x11a: {  	vm8 =	vge.f32 v52, v53;
	vm7 =	vgt.f32 v3, v52;
	vm9 =	vgt.f32 v54, v53  }
0x11b: {  	vm10 =	vgt.f32 v53, v52;
	vm11 =	vgt.f32 v54, v52;
	v3 =	vsel vm2, $0x3F800000, v0  }
0x11c: {  	v52 =	vsel vm10, $0x3F800000, v0;
	v54 =	vsel vm3, $0x3F800000, v0;
	v53 =	vsel vm11, $0x3F800000, v0  }
0x11d: {  	v55 =	vsel vm4, $0x3F800000, v0;
	v52 =	vadd.f32 v53, v52;
	v53 =	vsel vm5, $0x3F800000, v0  }
0x11e: {  	v57 =	vsel vm8, $0x3F800000, v0;
	v56 =	vsel vm7, $0x3F800000, v0;
	v58 =	vsel vm6, $0x3F800000, v0  }
0x11f: {  	v54 =	vadd.f32 v55, v54;
	v52 =	vadd.f32 v52, v56;
	v56 =	vsel vm9, $0x3F800000, v0  }
0x120: {  	v53 =	vadd.f32 v58, v53;
	v55 =	vadd.f32 v56, v57;
	v56 =	vsel vm0, $0x3F800000, v0  }
0x121: {  	v3 =	vadd.f32 v54, v3;
	vm0 =	vge.f32 v52, $2.000000000e+00;
	v52 =	vsel vm1, $0x3F800000, v0  }
0x122: {  	v53 =	vadd.f32 v53, v56;
	v54 =	vsel vm0, $0xF149F2CA, v0;
	v52 =	vadd.f32 v55, v52  }
0x123: {  	vm0 =	vge.f32 v3, $2.000000000e+00;
	v49 =	vadd.f32 v54, v49;
	v55 =	vadd.f32 v54, v2  }
0x124: {  	vm1 =	vge.f32 v53, $2.000000000e+00;
	vm3 =	vge.f32 v52, $2.000000000e+00;
	v52 =	vsel vm0, $0xF149F2CA, v0  }
0x125: {  	v53 =	vsel vm1, $0xF149F2CA, v0;
	vm1 =	vgt.f32 v55, v49;
	vm0 =	vgt.f32 v55, $-3.000000010e+38  }
0x126: {  	v48 =	vadd.f32 v54, v48;
	vm2 =	vmneg vm1;
	v3 =	vnsel vm0, $0xFF61B1E6, v55  }
0x127: {  	v56 =	vsel vm3, $0xF149F2CA, v0;
	v2 =	vadd.f32 v52, v47;
	v47 =	vsel vm2, v3, v49  }
0x128: {  	v3 =	vadd.f32 v52, v5;
	v49 =	vsel vm2, v49, v55;
	vm5 =	vgt.f32 v48, v47  }
0x129: {  	v46 =	vadd.f32 v54, v46;
	vm3 =	vgt.f32 v48, v49;
	v47 =	vsel vm5, v48, v47  }
0x12a: {  	v44 =	vadd.f32 v52, v44;
	v5 =	vadd.f32 v52, v45;
	v45 =	vsel vm3, v49, v47  }
0x12b: {  	v40 =	vadd.f32 v53, v40;
	v47 =	vsel vm3, v48, v49;
	vm7 =	vgt.f32 v46, v45  }
0x12c: {  	v48 =	vadd.f32 v56, v50;
	vm4 =	vgt.f32 v46, v47;
	v45 =	vsel vm7, v46, v45  }
0x12d: {  	v42 =	vadd.f32 v53, v42;
	v49 =	vadd.f32 v53, v51;
	v45 =	vsel vm4, v47, v45  }
0x12e: {  	v41 =	vadd.f32 v53, v41;
	v46 =	vsel vm4, v46, v47;
	vm8 =	vgt.f32 v48, v45  }
0x12f: {  	v39 =	vadd.f32 v56, v39;
	vm6 =	vgt.f32 v48, v46;
	v45 =	vsel vm8, v48, v45  }
0x130: {  	v43 =	vadd.f32 v56, v43;
	v4 =	vadd.f32 v56, v4;
	v45 =	vsel vm6, v46, v45  }
0x131: {  	v47 =	vsel vm1, $0x1, v1;
	v46 =	vsel vm6, v48, v46;
	vm1 =	vgt.f32 v39, v45  }
0x132: {  	vm2 =	vmand vm2, vm0;
	vm0 =	vgt.f32 v39, v46;
	v45 =	vsel vm1, v39, v45  }
0x133: {  	v50 =	vsel vm3, $0x2, v47;
	v48 =	vsel vm2, $0x1, v1;
	v45 =	vsel vm0, v46, v45  }
0x134: {  	v48 =	vsel vm5, $0x2, v48;
	v39 =	vsel vm0, v39, v46;
	vm5 =	vgt.f32 v43, v45  }
0x135: {  	v46 =	vsel vm3, v47, v48;
	vm2 =	vgt.f32 v43, v39;
	v45 =	vsel vm5, v43, v45  }
0x136: {  	v47 =	vsel vm4, $0x3, v50;
	v46 =	vsel vm7, $0x3, v46;
	v45 =	vsel vm2, v39, v45  }
0x137: {  	v48 =	vsel vm6, $0x4, v47;
	v39 =	vsel vm2, v43, v39;
	vm7 =	vgt.f32 v4, v45  }
0x138: {  	v43 =	vsel vm4, v50, v46;
	vm3 =	vgt.f32 v4, v39;
	v45 =	vsel vm7, v4, v45  }
0x139: {  	v46 =	vsel vm0, $0x5, v48;
	v43 =	vsel vm8, $0x4, v43;
	v45 =	vsel vm3, v39, v45  }
0x13a: {  	v43 =	vsel vm6, v47, v43;
	v4 =	vsel vm3, v4, v39;
	vm4 =	vgt.f32 v41, v45  }
0x13b: {  	v39 =	vsel vm2, $0x6, v46;
	vm6 =	vgt.f32 v41, v4;
	v45 =	vsel vm4, v41, v45  }
0x13c: {  	v43 =	vsel vm1, $0x5, v43;
	v47 =	vsel vm3, $0x7, v39;
	v45 =	vsel vm6, v4, v45  }
0x13d: {  	v43 =	vsel vm0, v48, v43;
	v4 =	vsel vm6, v41, v4;
	vm0 =	vgt.f32 v42, v45  }
0x13e: {  	v41 =	vsel vm5, $0x6, v43;
	vm1 =	vgt.f32 v42, v4;
	v43 =	vsel vm0, v42, v45  }
0x13f: {  	v41 =	vsel vm2, v46, v41;
	v45 =	vsel vm6, $0x8, v47;
	v43 =	vsel vm1, v4, v43  }
0x140: {  	v41 =	vsel vm7, $0x7, v41;
	v4 =	vsel vm1, v42, v4;
	vm2 =	vgt.f32 v49, v43  }
0x141: {  	v39 =	vsel vm3, v39, v41;
	vm3 =	vgt.f32 v49, v4;
	v41 =	vsel vm2, v49, v43  }
0x142: {  	v42 =	vsel vm1, $0x9, v45;
	v39 =	vsel vm4, $0x8, v39;
	v41 =	vsel vm3, v4, v41  }
0x143: {  	v39 =	vsel vm6, v47, v39;
	v4 =	vsel vm3, v49, v4;
	vm4 =	vgt.f32 v40, v41  }
0x144: {  	v39 =	vsel vm0, $0x9, v39;
	vm0 =	vgt.f32 v40, v4;
	v41 =	vsel vm4, v40, v41  }
0x145: {  	v43 =	vsel vm3, $0xA, v42;
	v39 =	vsel vm1, v45, v39;
	v41 =	vsel vm0, v4, v41  }
0x146: {  	v39 =	vsel vm2, $0xA, v39;
	v4 =	vsel vm0, v40, v4;
	vm1 =	vgt.f32 v44, v41  }
0x147: {  	v39 =	vsel vm3, v42, v39;
	vm2 =	vgt.f32 v44, v4;
	v40 =	vsel vm1, v44, v41  }
0x148: {  	v39 =	vsel vm4, $0xB, v39;
	v41 =	vsel vm0, $0xB, v43;
	v40 =	vsel vm2, v4, v40  }
0x149: {  	v39 =	vsel vm0, v43, v39;
	v4 =	vsel vm2, v44, v4;
	vm0 =	vgt.f32 v5, v40  }
0x14a: {  	v39 =	vsel vm1, $0xC, v39;
	vm1 =	vgt.f32 v5, v4;
	v40 =	vsel vm0, v5, v40  }
0x14b: {  	v39 =	vsel vm2, v41, v39;
	v41 =	vsel vm2, $0xC, v41;
	v40 =	vsel vm1, v4, v40  }
0x14c: {  	v39 =	vsel vm0, $0xD, v39;
	v4 =	vsel vm1, v5, v4;
	vm0 =	vgt.f32 v3, v40  }
0x14d: {  	v39 =	vsel vm1, v41, v39;
	vm2 =	vgt.f32 v3, v4;
	v5 =	vsel vm0, v3, v40  }
0x14e: {  	v40 =	vsel vm1, $0xD, v41;
	v39 =	vsel vm0, $0xE, v39;
	v5 =	vsel vm2, v4, v5  }
0x14f: {  	s17 =	sshll.u32 s15, $0x5;
	v39 =	vsel vm2, v40, v39;
	v4 =	vsel vm2, v3, v4;
	vm1 =	vgt.f32 v2, v5  }
0x150: {  	s17 =	sand.u32 $0xFFFFFF00, s17;
	v3 =	vsel vm2, $0xE, v40;
	vm0 =	vgt.f32 v2, v4;
	v39 =	vsel vm1, $0xF, v39  }
0x151: {  	v10 =	vmul.f32 v30, v10;
	v13 =	vmul.f32 v30, v13;
	s20 =	sor.u32 s18, s17;
	s18 =	sor.u32 s17, s16;
	s17 =	sor.u32 s17, s19;
	v39 =	vsel vm0, v3, v39  }
0x152: {  	v14 =	vmul.f32 v30, v14;
	v17 =	vmul.f32 v30, v17;
	v31 =	vadd.f32 v38, v31;
	s21 =	sor.u32 $0x80, s18;
	[tilespmem:s17+$0x1A80] =	vst v39  }
0x153: {  	v32 =	vadd.f32 v10, v32;
	v10 =	vmul.f32 v30, v11;
	v11 =	vmul.f32 v30, v18  }
0x154: {  	v9 =	vmul.f32 v30, v9;
	v33 =	vadd.f32 v33, v13;
	v13 =	vmul.f32 v30, v15  }
0x155: {  	v12 =	vmul.f32 v30, v12;
	v34 =	vadd.f32 v34, v14;
	v18 =	vadd.f32 v35, v17  }
0x156: {  	v15 =	vmul.f32 v30, v16;
	v16 =	vmul.f32 v30, v19;
	v14 =	vadd.f32 v37, v11  }
0x157: {  	v8 =	vmul.f32 v30, v8;
	v19 =	vmul.f32 v30, v20;
	v17 =	vadd.f32 v10, v28  }
0x158: {  	v20 =	vadd.f32 v29, v13;
	v13 =	vmul.f32 v30, v23;
	v11 =	vadd.f32 v36, v9  }
0x159: {  	v23 =	vmax.f32 v31, v32;
	v28 =	vmax.f32 v33, v34;
	v29 =	vmax.f32 v18, v14  }
0x15a: {  	v24 =	vadd.f32 v12, v24;
	v35 =	vadd.f32 v6, v15;
	v6 =	vmul.f32 v30, v22  }
0x15b: {  	v10 =	vadd.f32 v25, v16;
	v9 =	vadd.f32 v26, v19;
	v12 =	vmax.f32 v23, v17  }
0x15c: {  	v8 =	vadd.f32 v27, v8;
	v15 =	vmax.f32 v28, v20;
	v19 =	vmax.f32 v29, v11  }
0x15d: {  	v7 =	vadd.f32 v7, v13;
	v16 =	vmax.f32 v12, v24;
	v15 =	vmax.f32 v15, v35  }
0x15e: {  	v6 =	vadd.f32 v21, v6;
	v13 =	vmax.f32 v9, v8;
	v12 =	vmax.f32 v19, v10  }
0x15f: {  	v13 =	vmax.f32 v13, v7;
	vm3 =	vgt.f32 v12, v16;
	vm2 =	vgt.f32 v15, v16  }
0x160: {  	v13 =	vmax.f32 v13, v6;
	v21 =	vsel vm3, $0x3F800000, v0;
	v19 =	vsel vm2, $0x3F800000, v0  }
0x161: {  	vm3 =	vge.f32 v16, v15;
	vm2 =	vgt.f32 v13, v16;
	v19 =	vadd.f32 v21, v19  }
0x162: {  	v22 =	vsel vm3, $0x3F800000, v0;
	v21 =	vsel vm2, $0x3F800000, v0;
	vm2 =	vgt.f32 v12, v15  }
0x163: {  	vm3 =	vgt.f32 v13, v15;
	v19 =	vadd.f32 v21, v19;
	v21 =	vsel vm2, $0x3F800000, v0  }
0x164: {  	vm2 =	vge.f32 v16, v12;
	v21 =	vadd.f32 v21, v22;
	v22 =	vsel vm3, $0x3F800000, v0  }
0x165: {  	vm4 =	vge.f32 v15, v12;
	vm3 =	vge.f32 v19, $2.000000000e+00;
	v19 =	vsel vm2, $0x3F800000, v0  }
0x166: {  	v23 =	vsel vm3, $0xF149F2CA, v0;
	v21 =	vadd.f32 v22, v21;
	v22 =	vsel vm4, $0x3F800000, v0  }
0x167: {  	vm2 =	vgt.f32 v13, v12;
	v25 =	vadd.f32 v23, v31;
	v26 =	vadd.f32 v23, v32  }
0x168: {  	v17 =	vadd.f32 v23, v17;
	vm3 =	vge.f32 v21, $2.000000000e+00;
	v21 =	vadd.f32 v23, v24  }
0x169: {  	v23 =	vsel vm3, $0xF149F2CA, v0;
	vm3 =	vgt.f32 v26, v25;
	vm4 =	vgt.f32 v26, $-3.000000010e+38  }
0x16a: {  	v24 =	vadd.f32 v23, v33;
	vm5 =	vmneg vm3;
	v27 =	vnsel vm4, $0xFF61B1E6, v26  }
0x16b: {  	v28 =	vadd.f32 v23, v34;
	v27 =	vsel vm5, v27, v25;
	v25 =	vsel vm5, v25, v26  }
0x16c: {  	v20 =	vadd.f32 v23, v20;
	vm6 =	vgt.f32 v17, v25;
	vm7 =	vgt.f32 v17, v27  }
0x16d: {  	v19 =	vadd.f32 v22, v19;
	v22 =	vsel vm7, v17, v27;
	v17 =	vsel vm6, v17, v25  }
0x16e: {  	v26 =	vsel vm2, $0x3F800000, v0;
	v22 =	vsel vm6, v25, v22;
	vm8 =	vgt.f32 v21, v17  }
0x16f: {  	vm4 =	vmand vm5, vm4;
	vm5 =	vgt.f32 v21, v22;
	v25 =	vsel vm8, v21, v17  }
0x170: {  	v19 =	vadd.f32 v26, v19;
	v21 =	vsel vm5, v21, v22;
	vm2 =	vgt.f32 v24, v25  }
0x171: {  	v22 =	vsel vm4, $0x1, v1;
	v17 =	vsel vm8, v17, v21;
	v21 =	vsel vm2, v24, v25  }
0x172: {  	v23 =	vadd.f32 v23, v35;
	vm9 =	vgt.f32 v24, v17;
	vm4 =	vgt.f32 v28, v21  }
0x173: {  	v22 =	vsel vm7, $0x2, v22;
	v17 =	vsel vm9, v24, v17;
	v24 =	vsel vm4, v28, v21  }
0x174: {  	v26 =	vsel vm3, $0x1, v1;
	v25 =	vsel vm2, v25, v17;
	vm3 =	vgt.f32 v20, v24  }
0x175: {  	vm7 =	vge.f32 v19, $2.000000000e+00;
	vm10 =	vgt.f32 v28, v25;
	v19 =	vsel vm3, v20, v24  }
0x176: {  	v22 =	vsel vm6, v26, v22;
	v17 =	vsel vm7, $0xF149F2CA, v0;
	v25 =	vsel vm10, v28, v25  }
0x177: {  	v22 =	vsel vm5, $0x3, v22;
	vm5 =	vgt.f32 v23, v19;
	v21 =	vsel vm4, v21, v25  }
.Ltmp0:
0x178: {  	v18 =	vadd.f32 v17, v18;
	v25 =	vsel vm6, $0x2, v26;
	vm7 =	vgt.f32 v20, v21;
	(pc) =	sbr.rel @p0 .LBB2_2-.Ltmp0, $4  }
0x179: {  	v22 =	vsel vm8, v25, v22;
	v26 =	vsel vm7, v20, v21;
	v20 =	vsel vm5, v23, v19  }
0x17a: {  	v21 =	vsel vm8, $0x3, v25;
	v22 =	vsel vm9, $0x4, v22;
	v24 =	vsel vm3, v24, v26  }
0x17b: {  	v22 =	vsel vm2, v21, v22;
	vm6 =	vgt.f32 v18, v20;
	vm8 =	vgt.f32 v23, v24  }
0x17c: {  	v14 =	vadd.f32 v17, v14;
	v22 =	vsel vm10, $0x5, v22;
	v23 =	vsel vm8, v23, v24  }
0x17d: {  	vm9 =	vge.f32 v16, v13;
	v44 =	vsel vm5, v19, v23;
	v45 =	vsel vm2, $0x4, v21  }
0x17e: {  	vm14 =	vge.f32 v15, v13;
	v46 =	vsel vm6, v18, v20;
	v11 =	vadd.f32 v17, v11  }
0x17f: {  	vm11 =	vge.f32 v12, v13;
	v10 =	vadd.f32 v17, v10;
	v5 =	vsel vm1, v2, v5  }
0x180: {  	v2 =	vsel vm0, v2, v4;
	v3 =	vsel vm0, $0xF, v3;
	vm10 =	vgt.f32 v18, v44  }
0x181: {  	v47 =	vsel vm9, $0x3F800000, v0;
	v48 =	vsel vm4, v45, v22;
	v49 =	vsel vm14, $0x3F800000, v0  }
0x182: {  	vm2 =	vgt.f32 v14, v46;
	v19 =	vsel vm4, $0x5, v45;
	v53 =	vsel vm11, $0x3F800000, v0  }
0x183: {  	v5 =	vsel vm0, v4, v5;
	v16 =	vsel vm10, v18, v44;
	v18 =	vsel vm7, $0x6, v48  }
0x184: {  	v50 =	vadd.f32 v49, v47;
	v54 =	vsel vm2, v14, v46;
	v16 =	vsel vm6, v20, v16  }
0x185: {  	v55 =	vsel vm3, $0x6, v19;
	v51 =	vsel vm3, v19, v18;
	vm15 =	vgt.f32 v14, v16  }
0x186: {  	vm3 =	vgt.f32 v11, v54;
	v12 =	vsel vm8, $0x7, v51;
	v16 =	vsel vm15, v14, v16  }
0x187: {  	v15 =	vsel vm5, $0x7, v55;
	v12 =	vsel vm5, v55, v12;
	v52 =	vsel vm2, v46, v16  }
0x188: {  	v16 =	vadd.f32 v50, v53;
	v12 =	vsel vm10, $0x8, v12;
	vm7 =	vgt.f32 v11, v52  }
0x189: {  	v12 =	vsel vm6, v15, v12;
	v15 =	vsel vm6, $0x8, v15;
	v13 =	vsel vm7, v11, v52  }
0x18a: {  	vm12 =	vge.f32 v16, $2.000000000e+00;
	v11 =	vsel vm3, v11, v54;
	v12 =	vsel vm15, $0x9, v12  }
0x18b: {  	v57 =	vsel vm2, $0x9, v15;
	v13 =	vsel vm3, v54, v13;
	v56 =	vsel vm12, $0xF149F2CA, v0  }
0x18c: {  	vm14 =	vgt.f32 v10, v11;
	v12 =	vsel vm2, v15, v12;
	vm13 =	vgt.f32 v10, v13  }
0x18d: {  	v9 =	vadd.f32 v56, v9;
	v12 =	vsel vm7, $0xA, v12;
	v13 =	vsel vm13, v10, v13  }
0x18e: {  	v8 =	vadd.f32 v56, v8;
	v7 =	vadd.f32 v56, v7;
	v13 =	vsel vm14, v11, v13  }
0x18f: {  	v6 =	vadd.f32 v56, v6;
	v10 =	vsel vm14, v10, v11;
	vm15 =	vgt.f32 v9, v13  }
0x190: {  	v12 =	vsel vm3, v57, v12;
	vm9 =	vgt.f32 v9, v10;
	v13 =	vsel vm15, v9, v13  }
0x191: {  	v11 =	vsel vm3, $0xA, v57;
	v12 =	vsel vm13, $0xB, v12;
	v13 =	vsel vm9, v10, v13  }
0x192: {  	v12 =	vsel vm14, v11, v12;
	v9 =	vsel vm9, v9, v10;
	vm10 =	vgt.f32 v8, v13  }
0x193: {  	v11 =	vsel vm14, $0xB, v11;
	vm11 =	vgt.f32 v8, v9;
	v58 =	vsel vm10, v8, v13  }
0x194: {  	v12 =	vsel vm15, $0xC, v12;
	v59 =	vsel vm9, $0xC, v11;
	v10 =	vsel vm11, v9, v58  }
0x195: {  	v12 =	vsel vm9, v11, v12;
	v8 =	vsel vm11, v8, v9;
	vm12 =	vgt.f32 v7, v10  }
0x196: {  	v12 =	vsel vm10, $0xD, v12;
	vm13 =	vgt.f32 v7, v8;
	v10 =	vsel vm12, v7, v10  }
0x197: {  	[tilespmem:s17+$0x1800] =	vst v2;
	v11 =	vsel vm11, v59, v12;
	v7 =	vsel vm13, v7, v8;
	v10 =	vsel vm13, v8, v10  }
0x198: {  	[tilespmem:s17+$0x1A00] =	vst v3;
	v9 =	vsel vm11, $0xD, v59;
	vm15 =	vgt.f32 v6, v7;
	vm14 =	vgt.f32 v6, v10  }
0x199: {  	[tilespmem:s17+$0x1880] =	vst v5;
	v60 =	vsel vm12, $0xE, v11;
	v10 =	vsel vm14, v6, v10;
	v6 =	vsel vm15, v6, v7  }
0x19a: {  	v62 =	vsel vm13, $0xE, v9;
	v61 =	vsel vm13, v9, v60;
	v7 =	vsel vm15, v7, v10;
	[tilespmem:s20+$0x1800] =	vst v6  }
0x19b: {  	v63 =	vsel vm15, $0xF, v62;
	v5 =	vsel vm14, $0xF, v61;
	[tilespmem:s21+$0x1800] =	vst v7  }
0x19c: {  	v5 =	vsel vm15, v62, v5;
	[tilespmem:s20+$0x1A00] =	vst v63  }
0x19d: {  	[tilespmem:s21+$0x1A00] =	vst v5  }
0x19e: {  	[hbm4b:s5+s2] =	stream.linear.scatter [tilespmem:s12], [sflag:$0x1], $0x200, $0x38;
	[tilespmem:$0x1C00] =	vst v63  }
0x19f: {  	s14 =	sadd.s32 $0x1, s14;
	_ =	swait.ge [sflag:s9], $0x200  }
0x1a0: {  	p0 =	sne.s32 s14, s7;
	[sflag:s9] =	ssyncset.done $0x0  }
.Ltmp1:
0x1a1: {  	[sflag:s9] =	ssyncadd.s32 $0xFFFFFE00;
	(pc) =	sbr.rel @p0 .LBB2_1-.Ltmp1, $4  }
0x1a2: {  	[hbm4b:s6+s2] =	stream.linear.scatter [tilespmem:s13], [sflag:$0x1], $0x200, $0x38;
	[tilespmem:$0x1C00] =	vst v63  }
0x1a3: {  	_ =	swait.ge [sflag:s9], $0x200  }
0x1a4: {  	[sflag:s9] =	ssyncset.done $0x0  }
0x1a5: {  	[sflag:s9] =	ssyncadd.s32 $0xFFFFFE00  }
0x1a6: {  	_ =	sfence.sel $0x180000  }
0x1a7: {  	[bflag:$0x0] =	sbarrier.arrive $0xFFFF  }
0x1a8: {  	p0 =	sne.s32 s1, $0x0;
	_ =	strace $0x90000047  }
0x1a9: {  	s0 =	sadd.s32 @!p0 $0x100000, s0;
	[bflag:$0x2] =	sbarrier.arrive $0xFFFF  }
0x1aa: {  	[sflag:s0] =	ssyncadd.tile.s32 @!p0 $0x1;
	_ =	shalt  }
.Lfunc_end2:
_tile_overlayer_lowered:
.L_overlay_start_2:
0x1ab: {  	(tag) =	ssettag $0x2  }
0x1ac: {  	s0 =	rddreg [dreg:$0x0];
	s2 =	stileid.u32  }
0x1ad: {  	s1 =	rddreg [dreg:$0x1];
	p0 =	sne.s32 s2, $0x0  }
0x1ae: {  	s3 =	rddreg [dreg:$0x2];
	[bflag:$0x3] =	sbarrier.arrive $0xFFFF;
	s2 =	simm.s32 @!p0 $0x1C01  }
0x1af: {  	[timem:s3], [sflag:s2] =	dma.local @!p0 [hbm:s0], s1  }
0x1b0: {  	s0 =	simm.s32 @!p0 $0x1  }
0x1b1: {  	_ =	swait.ge @!p0 [sflag:s0], s1  }
0x1b2: {  	s1 =	ssub.s32 @!p0 $0x0, s1;
	[sflag:s0] =	ssyncset.done @!p0 $0x0  }
0x1b3: {  	[sflag:s0] =	ssyncadd.s32 @!p0 s1  }
0x1b4: {  	[bflag:$0x3] =	sbarrier.arrive $0xFFFF  }
0x1b5: {  	_ =	shalt  }

</sc_bundles>
